<compile_context>
chip_gen: v7x
topology: tpu7x:2x2x1
jax: 0.10.2.dev20260603
libtpu: 0.0.44.dev20260713+nightly
codegen_flags: <defaults>
</compile_context>

<pallas_src>
import functools

import jax
import jax.numpy as jnp
import numpy as np
from jax import lax
from jax.experimental import pallas as pl
from jax.experimental.pallas import tpu as pltpu
from jax.experimental.pallas import tpu_sc as plsc

N = 10000
E = 320000
F_IN = 128
F_OUT = 20
FP = 24
NUM_CLASSES = 10

NC = 2
NS = 16
NW = NC * NS
W0 = 128
NWIN = 79
EP = NW * NWIN * W0
NT = 128
NA = N + NT

D_RING = 24
P_PRE = 12

_mesh = plsc.VectorSubcoreMesh(core_axis_name="c", subcore_axis_name="s")
_CP = pltpu.CompilerParams(use_tc_tiling_on_sc=False)


@functools.partial(
    pl.kernel,
    mesh=_mesh,
    out_type=jax.ShapeDtypeStruct((NC, NA), jnp.float32),
    scratch_types=[
        pltpu.VMEM((NWIN, W0), jnp.int32),
        pltpu.VMEM((W0,), jnp.float32),
        pltpu.VMEM_SHARED((NA,), jnp.float32),
        pltpu.SemaphoreType.DMA,
    ],
    compiler_params=_CP,
)
def _deg_kernel(dst_hbm, zeros_hbm, out_hbm, idx_v, ones_v, deg_sh, sem):
    c = lax.axis_index("c")
    s = lax.axis_index("s")
    wid = s * NC + c

    @pl.when(s == 0)
    def _():
        pltpu.sync_copy(zeros_hbm, deg_sh)

    for i in range(W0 // 16):
        ones_v[pl.ds(i * 16, 16)] = jnp.ones((16,), jnp.float32)
    pltpu.sync_copy(dst_hbm.at[wid], idx_v)
    plsc.subcore_barrier()

    def fire(w, carry):
        pltpu.async_copy(ones_v, deg_sh.at[idx_v.at[w]], sem, add=True)
        return carry

    lax.fori_loop(0, NWIN, fire, 0)

    def drain(w, carry):
        pltpu.make_async_copy(ones_v, deg_sh.at[idx_v.at[0]], sem).wait()
        return carry

    lax.fori_loop(0, NWIN, drain, 0)
    plsc.subcore_barrier()

    @pl.when(s == 0)
    def _():
        pltpu.sync_copy(deg_sh, out_hbm.at[c])


@functools.partial(
    pl.kernel,
    mesh=_mesh,
    out_type=jax.ShapeDtypeStruct((NC, NA, FP), jnp.float32),
    scratch_types=[
        pltpu.VMEM((NWIN, W0), jnp.int32),
        pltpu.VMEM((NWIN, W0), jnp.int32),
        pltpu.VMEM((D_RING, W0, FP), jnp.float32),
        pltpu.VMEM_SHARED((NA, FP), jnp.float32),
        pltpu.SemaphoreType.DMA,
        pltpu.SemaphoreType.DMA,
    ],
    compiler_params=_CP,
)
def _scatter_kernel(src_hbm, dst_hbm, g_hbm, zeros_hbm, out_hbm,
                    sidx_v, didx_v, rows_v, acc_sh, sem_g, sem_s):
    c = lax.axis_index("c")
    s = lax.axis_index("s")
    wid = s * NC + c

    @pl.when((s == 0) & (c == 0))
    def _():
        pltpu.sync_copy(g_hbm, acc_sh)

    @pl.when((s == 0) & (c == 1))
    def _():
        pltpu.sync_copy(zeros_hbm, acc_sh)

    pltpu.sync_copy(src_hbm.at[wid], sidx_v)
    pltpu.sync_copy(dst_hbm.at[wid], didx_v)
    plsc.subcore_barrier()

    for i in range(P_PRE):
        pltpu.async_copy(g_hbm.at[sidx_v.at[i]], rows_v.at[i], sem_g)

    def w_body(w, carry):
        @pl.when(w >= P_PRE)
        def _():
            pltpu.make_async_copy(rows_v.at[0], acc_sh.at[didx_v.at[0]],
                                  sem_s).wait()

        pltpu.make_async_copy(g_hbm.at[sidx_v.at[w]],
                              rows_v.at[w % D_RING], sem_g).wait()
        pltpu.async_copy(rows_v.at[w % D_RING],
                         acc_sh.at[didx_v.at[w]], sem_s, add=True)
        nxt = w + P_PRE

        @pl.when(nxt < NWIN)
        def _():
            pltpu.async_copy(g_hbm.at[sidx_v.at[nxt]],
                             rows_v.at[nxt % D_RING], sem_g)

        return carry

    lax.fori_loop(0, NWIN, w_body, 0)
    for _ in range(P_PRE):
        pltpu.make_async_copy(rows_v.at[0], acc_sh.at[didx_v.at[0]],
                              sem_s).wait()
    plsc.subcore_barrier()

    @pl.when(s == 0)
    def _():
        pltpu.sync_copy(acc_sh, out_hbm.at[c])


def _prep_body(x_ref, w_ref, degp_ref, g_ref):
    deg = degp_ref[0, :N] + degp_ref[1, :N] + 1.0
    dis = lax.rsqrt(deg)[:, None]
    h = jnp.dot(x_ref[...], w_ref[...], preferred_element_type=jnp.float32)
    g_ref[pl.ds(0, N), :] = h * dis
    g_ref[pl.ds(N, NT), :] = jnp.zeros((NT, FP), jnp.float32)


def _fin_body(ap_ref, degp_ref, b_ref, lw_ref, lb_ref, o_ref):
    deg = degp_ref[0, :N] + degp_ref[1, :N] + 1.0
    dis = lax.rsqrt(deg)[:, None]
    a = (ap_ref[0, :N, :F_OUT] + ap_ref[1, :N, :F_OUT])
    out1 = a * dis + b_ref[...]
    nrm = jnp.sqrt(jnp.sum(out1 * out1, axis=1, keepdims=True))
    out1 = out1 / jnp.maximum(nrm, 1e-12)
    e = jnp.maximum(out1, 0.0)
    pmax = jnp.max(e, axis=0, keepdims=True)
    pmean = jnp.sum(e, axis=0, keepdims=True) * (1.0 / N)
    feat = jnp.concatenate([pmax, pmean], axis=1)
    o_ref[...] = jnp.dot(feat, lw_ref[...],
                         preferred_element_type=jnp.float32) + lb_ref[...]


_PAD = EP - E
_pad_src = ((np.arange(_PAD, dtype=np.int64) * 79) % N).astype(np.int32)
_pad_dst = (N + np.arange(_PAD, dtype=np.int64) % NT).astype(np.int32)


def kernel(x, edge_index, W, b, lin_W, lin_b):
    src = jnp.concatenate([edge_index[0], _pad_src]).reshape(NW, NWIN, W0)
    dst = jnp.concatenate([edge_index[1], _pad_dst]).reshape(NW, NWIN, W0)
    zeros_n = jnp.zeros((NA,), jnp.float32)
    zeros_nf = jnp.zeros((NA, FP), jnp.float32)
    w_pad = jnp.pad(W, ((0, 0), (0, FP - F_OUT)))

    degp = _deg_kernel(dst, zeros_n)

    g = pl.pallas_call(
        _prep_body,
        out_shape=jax.ShapeDtypeStruct((NA, FP), jnp.float32),
    )(x, w_pad, degp)

    ap = _scatter_kernel(src, dst, g, zeros_nf)

    out = pl.pallas_call(
        _fin_body,
        out_shape=jax.ShapeDtypeStruct((1, NUM_CLASSES), jnp.float32),
    )(ap, degp, b.reshape(1, F_OUT), lin_W, lin_b.reshape(1, NUM_CLASSES))
    return out

# --- scband reference (transcript-rebuilt; emitter-appended) ---
"""Pipeline reference for scband-graph-gcn-simple-54614804136601 (READ-ONLY COPY).

The authoritative reference and input builder live on the scoring server;
editing this copy changes nothing except your own understanding.
"""

import jax, jax.numpy as jnp
import numpy as np

N = 10000
E = 320000
F_IN = 128
F_OUT = 20
NUM_CLASSES = 10


def setup_inputs(seed: int = 0) -> dict:
    key = jax.random.key(seed)
    k1, k2, k3, k4 = jax.random.split(key, 4)
    x = jax.random.normal(k1, (N, F_IN), dtype=jnp.float32)
    edge_index = jax.random.randint(k2, (2, E), 0, N, dtype=jnp.int32)
    # GCNConv parameters: weight [in, out] (applied x @ W), bias [out]
    W = jax.random.normal(k3, (F_IN, F_OUT), dtype=jnp.float32) * (1.0 / np.sqrt(F_IN))
    b = jnp.zeros((F_OUT,), dtype=jnp.float32)
    # final Linear: maps 2*embedding_size -> num_classes (stored as [in, out] for x @ W)
    lin_W = jax.random.normal(k4, (2 * F_OUT, NUM_CLASSES), dtype=jnp.float32) * (1.0 / np.sqrt(2 * F_OUT))
    lin_b = jnp.zeros((NUM_CLASSES,), dtype=jnp.float32)
    return {"x": x, "edge_index": edge_index, "W": W, "b": b, "lin_W": lin_W, "lin_b": lin_b}


def reference(x, edge_index, W, b, lin_W, lin_b):
    n = x.shape[0]
    # --- GCNConv (add self loops, symmetric normalization, edge_weights=None -> ones) ---
    loop = jnp.arange(n, dtype=edge_index.dtype)
    ei = jnp.concatenate([edge_index, jnp.stack([loop, loop])], axis=1)
    ew = jnp.ones((ei.shape[1],), dtype=x.dtype)
    src, dst = ei[0], ei[1]
    deg = jnp.zeros((n,), dtype=x.dtype).at[dst].add(ew)
    dis = jnp.where(deg > 0, jax.lax.rsqrt(jnp.where(deg > 0, deg, 1.0)), 0.0)
    norm = dis[src] * dis[dst] * ew
    h = x @ W
    out1 = jnp.zeros((n, h.shape[1]), dtype=x.dtype).at[dst].add(h[src] * norm[:, None])
    out1 = out1 + b
    # F.normalize(p=2, dim=1) with eps=1e-12
    nrm = jnp.sqrt(jnp.sum(out1 * out1, axis=1, keepdims=True))
    out1 = out1 / jnp.maximum(nrm, 1e-12)
    embed = jax.nn.relu(out1)
    # batch is None -> all nodes belong to graph 0; global max/mean pool -> [1, 20]
    pmax = jnp.max(embed, axis=0, keepdims=True)
    pmean = jnp.mean(embed, axis=0, keepdims=True)
    feat = jnp.concatenate([pmax, pmean], axis=-1)
    return feat @ lin_W + lin_b

if __name__ == "__main__":
    import jax
    _d = setup_inputs()
    print(jax.jit(kernel)(*tuple(_d.values())))

</pallas_src>

<mosaic_0001>
#map = affine_map<(d0, d1) -> (0, 0, 0)>
#map1 = affine_map<(d0, d1) -> (0)>
#map2 = affine_map<(d0, d1) -> (0, 0)>
module attributes {stable_mosaic.version = 14 : i64} {
  func.func @_deg_kernel(%arg0: i32, %arg1: i32, %arg2: memref<32x79x128xi32, #tpu.memory_space<hbm>>, %arg3: memref<10128xf32, #tpu.memory_space<hbm>>, %arg4: memref<2x10128xf32, #tpu.memory_space<hbm>>, %arg5: memref<79x128xi32, #tpu.memory_space<vmem>>, %arg6: memref<128xf32, #tpu.memory_space<vmem>>, %arg7: memref<10128xf32, #tpu.memory_space<vmem_shared>>, %arg8: memref<!tpu.dma_semaphore, #tpu.memory_space<semaphore_mem>>) attributes {dimension_semantics = [#tpu.dimension_semantics<core_parallel>, #tpu.dimension_semantics<subcore_parallel>], iteration_bounds = array<i64: 2, 16>, scalar_prefetch = 0 : i64, scratch_operands = 4 : i64, tpu.core_type = #tpu.core_type<sc_vector_subcore>, window_params = [{transform_indices = #map}, {transform_indices = #map1}, {transform_indices = #map2}]} {
    %mul3A = arith.constant 2 : i32
    %mul3A_0 = arith.muli %arg1, %mul3A : i32
    %add3A = arith.addi %mul3A_0, %arg0 : i32
    %eq3A = arith.constant 0 : i32
    %eq3A_1 = arith.cmpi eq, %arg1, %eq3A : i32
    %convert_element_type3A = arith.extui %eq3A_1 : i1 to i32
    %cond3A = arith.constant 0 : i32
    %cond3A_2 = arith.cmpi ne, %convert_element_type3A, %cond3A : i32
    scf.if %cond3A_2 {
      "tpu.region"() ({
        %run_scoped3A = tpu.sem_alloc : memref<!tpu.dma_semaphore, #tpu.memory_space<semaphore_mem>>
        tpu.enqueue_dma source(%arg3 : memref<10128xf32, #tpu.memory_space<hbm>>) target(%arg7 : memref<10128xf32, #tpu.memory_space<vmem_shared>>) target_semaphore(%run_scoped3A : memref<!tpu.dma_semaphore, #tpu.memory_space<semaphore_mem>>)
        tpu.wait_dma2 semaphore(%run_scoped3A : memref<!tpu.dma_semaphore, #tpu.memory_space<semaphore_mem>>) src(%arg3 : memref<10128xf32, #tpu.memory_space<hbm>>) dst(%arg7 : memref<10128xf32, #tpu.memory_space<vmem_shared>>)
        tpu.yield
      }) : () -> ()
    } else {
    }
    %broadcast_in_dim3A = arith.constant 1.000000e+00 : f32
    %broadcast_in_dim3A_3 = vector.broadcast %broadcast_in_dim3A : f32 to vector<16xf32>
    %swap3A = arith.constant 0 : index
    %swap3A_4 = tpu.vector_load %arg6[%swap3A] {strides = array<i32>} : memref<128xf32, #tpu.memory_space<vmem>>, vector<16xf32>,
    %swap3A_5 = vector.shape_cast %swap3A_4 : vector<16xf32> to vector<16xf32>
    %swap3A_6 = vector.shape_cast %broadcast_in_dim3A_3 : vector<16xf32> to vector<16xf32>
    tpu.vector_store %arg6[%swap3A], %swap3A_6 {strides = array<i32>} : memref<128xf32, #tpu.memory_space<vmem>>, vector<16xf32>,
    %broadcast_in_dim3A_7 = arith.constant 1.000000e+00 : f32
    %broadcast_in_dim3A_8 = vector.broadcast %broadcast_in_dim3A_7 : f32 to vector<16xf32>
    %swap3A_9 = arith.constant 16 : index
    %swap3A_10 = tpu.vector_load %arg6[%swap3A_9] {strides = array<i32>} : memref<128xf32, #tpu.memory_space<vmem>>, vector<16xf32>,
    %swap3A_11 = vector.shape_cast %swap3A_10 : vector<16xf32> to vector<16xf32>
    %swap3A_12 = vector.shape_cast %broadcast_in_dim3A_8 : vector<16xf32> to vector<16xf32>
    tpu.vector_store %arg6[%swap3A_9], %swap3A_12 {strides = array<i32>} : memref<128xf32, #tpu.memory_space<vmem>>, vector<16xf32>,
    %broadcast_in_dim3A_13 = arith.constant 1.000000e+00 : f32
    %broadcast_in_dim3A_14 = vector.broadcast %broadcast_in_dim3A_13 : f32 to vector<16xf32>
    %swap3A_15 = arith.constant 32 : index
    %swap3A_16 = tpu.vector_load %arg6[%swap3A_15] {strides = array<i32>} : memref<128xf32, #tpu.memory_space<vmem>>, vector<16xf32>,
    %swap3A_17 = vector.shape_cast %swap3A_16 : vector<16xf32> to vector<16xf32>
    %swap3A_18 = vector.shape_cast %broadcast_in_dim3A_14 : vector<16xf32> to vector<16xf32>
    tpu.vector_store %arg6[%swap3A_15], %swap3A_18 {strides = array<i32>} : memref<128xf32, #tpu.memory_space<vmem>>, vector<16xf32>,
    %broadcast_in_dim3A_19 = arith.constant 1.000000e+00 : f32
    %broadcast_in_dim3A_20 = vector.broadcast %broadcast_in_dim3A_19 : f32 to vector<16xf32>
    %swap3A_21 = arith.constant 48 : index
    %swap3A_22 = tpu.vector_load %arg6[%swap3A_21] {strides = array<i32>} : memref<128xf32, #tpu.memory_space<vmem>>, vector<16xf32>,
    %swap3A_23 = vector.shape_cast %swap3A_22 : vector<16xf32> to vector<16xf32>
    %swap3A_24 = vector.shape_cast %broadcast_in_dim3A_20 : vector<16xf32> to vector<16xf32>
    tpu.vector_store %arg6[%swap3A_21], %swap3A_24 {strides = array<i32>} : memref<128xf32, #tpu.memory_space<vmem>>, vector<16xf32>,
    %broadcast_in_dim3A_25 = arith.constant 1.000000e+00 : f32
    %broadcast_in_dim3A_26 = vector.broadcast %broadcast_in_dim3A_25 : f32 to vector<16xf32>
    %swap3A_27 = arith.constant 64 : index
    %swap3A_28 = tpu.vector_load %arg6[%swap3A_27] {strides = array<i32>} : memref<128xf32, #tpu.memory_space<vmem>>, vector<16xf32>,
    %swap3A_29 = vector.shape_cast %swap3A_28 : vector<16xf32> to vector<16xf32>
    %swap3A_30 = vector.shape_cast %broadcast_in_dim3A_26 : vector<16xf32> to vector<16xf32>
    tpu.vector_store %arg6[%swap3A_27], %swap3A_30 {strides = array<i32>} : memref<128xf32, #tpu.memory_space<vmem>>, vector<16xf32>,
    %broadcast_in_dim3A_31 = arith.constant 1.000000e+00 : f32
    %broadcast_in_dim3A_32 = vector.broadcast %broadcast_in_dim3A_31 : f32 to vector<16xf32>
    %swap3A_33 = arith.constant 80 : index
    %swap3A_34 = tpu.vector_load %arg6[%swap3A_33] {strides = array<i32>} : memref<128xf32, #tpu.memory_space<vmem>>, vector<16xf32>,
    %swap3A_35 = vector.shape_cast %swap3A_34 : vector<16xf32> to vector<16xf32>
    %swap3A_36 = vector.shape_cast %broadcast_in_dim3A_32 : vector<16xf32> to vector<16xf32>
    tpu.vector_store %arg6[%swap3A_33], %swap3A_36 {strides = array<i32>} : memref<128xf32, #tpu.memory_space<vmem>>, vector<16xf32>,
    %broadcast_in_dim3A_37 = arith.constant 1.000000e+00 : f32
    %broadcast_in_dim3A_38 = vector.broadcast %broadcast_in_dim3A_37 : f32 to vector<16xf32>
    %swap3A_39 = arith.constant 96 : index
    %swap3A_40 = tpu.vector_load %arg6[%swap3A_39] {strides = array<i32>} : memref<128xf32, #tpu.memory_space<vmem>>, vector<16xf32>,
    %swap3A_41 = vector.shape_cast %swap3A_40 : vector<16xf32> to vector<16xf32>
    %swap3A_42 = vector.shape_cast %broadcast_in_dim3A_38 : vector<16xf32> to vector<16xf32>
    tpu.vector_store %arg6[%swap3A_39], %swap3A_42 {strides = array<i32>} : memref<128xf32, #tpu.memory_space<vmem>>, vector<16xf32>,
    %broadcast_in_dim3A_43 = arith.constant 1.000000e+00 : f32
    %broadcast_in_dim3A_44 = vector.broadcast %broadcast_in_dim3A_43 : f32 to vector<16xf32>
    %swap3A_45 = arith.constant 112 : index
    %swap3A_46 = tpu.vector_load %arg6[%swap3A_45] {strides = array<i32>} : memref<128xf32, #tpu.memory_space<vmem>>, vector<16xf32>,
    %swap3A_47 = vector.shape_cast %swap3A_46 : vector<16xf32> to vector<16xf32>
    %swap3A_48 = vector.shape_cast %broadcast_in_dim3A_44 : vector<16xf32> to vector<16xf32>
    tpu.vector_store %arg6[%swap3A_45], %swap3A_48 {strides = array<i32>} : memref<128xf32, #tpu.memory_space<vmem>>, vector<16xf32>,
    "tpu.region"() ({
      %run_scoped3A = tpu.sem_alloc : memref<!tpu.dma_semaphore, #tpu.memory_space<semaphore_mem>>
      %dma_start3A = arith.constant 0 : i32
      %dma_start3A_66 = arith.constant 0 : i32
      %dma_start3A_67 = tpu.memref_slice %arg2[%add3A, %dma_start3A, %dma_start3A_66] : memref<32x79x128xi32, #tpu.memory_space<hbm>> -> memref<1x79x128xi32, #tpu.memory_space<hbm>>
      %dma_start3A_68 = tpu.memref_squeeze %dma_start3A_67 : memref<1x79x128xi32, #tpu.memory_space<hbm>> -> memref<79x128xi32, #tpu.memory_space<hbm>>
      %dma_start3A_69 = arith.constant 0 : i32
      %dma_start3A_70 = arith.constant 0 : i32
      %dma_start3A_71 = tpu.memref_slice %arg2[%add3A, %dma_start3A_69, %dma_start3A_70] : memref<32x79x128xi32, #tpu.memory_space<hbm>> -> memref<1x79x128xi32, #tpu.memory_space<hbm>>
      %dma_start3A_72 = tpu.memref_squeeze %dma_start3A_71 : memref<1x79x128xi32, #tpu.memory_space<hbm>> -> memref<79x128xi32, #tpu.memory_space<hbm>>
      tpu.enqueue_dma source(%dma_start3A_72 : memref<79x128xi32, #tpu.memory_space<hbm>>) target(%arg5 : memref<79x128xi32, #tpu.memory_space<vmem>>) target_semaphore(%run_scoped3A : memref<!tpu.dma_semaphore, #tpu.memory_space<semaphore_mem>>)
      %dma_wait3A = arith.constant 0 : i32
      %dma_wait3A_73 = arith.constant 0 : i32
      %dma_wait3A_74 = tpu.memref_slice %arg2[%add3A, %dma_wait3A, %dma_wait3A_73] : memref<32x79x128xi32, #tpu.memory_space<hbm>> -> memref<1x79x128xi32, #tpu.memory_space<hbm>>
      %dma_wait3A_75 = tpu.memref_squeeze %dma_wait3A_74 : memref<1x79x128xi32, #tpu.memory_space<hbm>> -> memref<79x128xi32, #tpu.memory_space<hbm>>
      %dma_wait3A_76 = arith.constant 0 : i32
      %dma_wait3A_77 = arith.constant 0 : i32
      %dma_wait3A_78 = tpu.memref_slice %arg2[%add3A, %dma_wait3A_76, %dma_wait3A_77] : memref<32x79x128xi32, #tpu.memory_space<hbm>> -> memref<1x79x128xi32, #tpu.memory_space<hbm>>
      %dma_wait3A_79 = tpu.memref_squeeze %dma_wait3A_78 : memref<1x79x128xi32, #tpu.memory_space<hbm>> -> memref<79x128xi32, #tpu.memory_space<hbm>>
      tpu.wait_dma2 semaphore(%run_scoped3A : memref<!tpu.dma_semaphore, #tpu.memory_space<semaphore_mem>>) src(%dma_wait3A_79 : memref<79x128xi32, #tpu.memory_space<hbm>>) dst(%arg5 : memref<79x128xi32, #tpu.memory_space<vmem>>)
      tpu.yield
    }) : () -> ()
    %barrier3A = arith.constant 0 : index
    tpu.barrier barrier_id(%barrier3A)
    %scan3A = arith.constant 0 : i32
    %scan3A_49 = arith.constant 0 : i32
    %scan3A_50 = arith.constant 79 : i32
    %scan3A_51 = arith.addi %scan3A_49, %scan3A_50 : i32
    %scan3A_52 = arith.constant 1 : i32
    scf.for %scan3A_66 = %scan3A_49 to %scan3A_51 step %scan3A_52  : i32 {
      %dma_start3A = arith.constant 0 : i32
      %dma_start3A_67 = tpu.memref_slice %arg5[%scan3A_66, %dma_start3A] : memref<79x128xi32, #tpu.memory_space<vmem>> -> memref<1x128xi32, #tpu.memory_space<vmem>>
      %dma_start3A_68 = tpu.memref_squeeze %dma_start3A_67 : memref<1x128xi32, #tpu.memory_space<vmem>> -> memref<128xi32, #tpu.memory_space<vmem>>
      %dma_start3A_69 = arith.constant 0 : i32
      %dma_start3A_70 = tpu.memref_slice %arg7[%dma_start3A_69] : memref<10128xf32, #tpu.memory_space<vmem_shared>> -> memref<10128xf32, #tpu.memory_space<vmem_shared>>
      tpu.enqueue_indirect_dma source(%arg6 : memref<128xf32, #tpu.memory_space<vmem>>) target(%dma_start3A_70 : memref<10128xf32, #tpu.memory_space<vmem_shared>>) offsets(%dma_start3A_68 : memref<128xi32, #tpu.memory_space<vmem>>) semaphore(%arg8 : memref<!tpu.dma_semaphore, #tpu.memory_space<semaphore_mem>>) {add = true}
    }
    %scan3A_53 = arith.constant 79 : i32
    %scan3A_54 = arith.constant 0 : i32
    %scan3A_55 = arith.constant 0 : i32
    %scan3A_56 = arith.constant 79 : i32
    %scan3A_57 = arith.addi %scan3A_55, %scan3A_56 : i32
    %scan3A_58 = arith.constant 1 : i32
    scf.for %scan3A_66 = %scan3A_55 to %scan3A_57 step %scan3A_58  : i32 {
      %dma_wait3A = arith.constant 0 : i32
      %dma_wait3A_67 = arith.constant 0 : i32
      %dma_wait3A_68 = tpu.memref_slice %arg5[%dma_wait3A, %dma_wait3A_67] : memref<79x128xi32, #tpu.memory_space<vmem>> -> memref<1x128xi32, #tpu.memory_space<vmem>>
      %dma_wait3A_69 = tpu.memref_squeeze %dma_wait3A_68 : memref<1x128xi32, #tpu.memory_space<vmem>> -> memref<128xi32, #tpu.memory_space<vmem>>
      %dma_wait3A_70 = arith.constant 0 : i32
      %dma_wait3A_71 = tpu.memref_slice %arg7[%dma_wait3A_70] : memref<10128xf32, #tpu.memory_space<vmem_shared>> -> memref<10128xf32, #tpu.memory_space<vmem_shared>>
      tpu.wait_indirect_dma semaphore(%arg8 : memref<!tpu.dma_semaphore, #tpu.memory_space<semaphore_mem>>) src(%arg6 : memref<128xf32, #tpu.memory_space<vmem>>) dst(%dma_wait3A_71 : memref<10128xf32, #tpu.memory_space<vmem_shared>>)
    }
    %scan3A_59 = arith.constant 79 : i32
    %barrier3A_60 = arith.constant 0 : index
    tpu.barrier barrier_id(%barrier3A_60)
    %eq3A_61 = arith.constant 0 : i32
    %eq3A_62 = arith.cmpi eq, %arg1, %eq3A_61 : i32
    %convert_element_type3A_63 = arith.extui %eq3A_62 : i1 to i32
    %cond3A_64 = arith.constant 0 : i32
    %cond3A_65 = arith.cmpi ne, %convert_element_type3A_63, %cond3A_64 : i32
    scf.if %cond3A_65 {
      "tpu.region"() ({
        %run_scoped3A = tpu.sem_alloc : memref<!tpu.dma_semaphore, #tpu.memory_space<semaphore_mem>>
        %dma_start3A = arith.constant 0 : i32
        %dma_start3A_66 = tpu.memref_slice %arg4[%arg0, %dma_start3A] : memref<2x10128xf32, #tpu.memory_space<hbm>> -> memref<1x10128xf32, #tpu.memory_space<hbm>>
        %dma_start3A_67 = tpu.memref_squeeze %dma_start3A_66 : memref<1x10128xf32, #tpu.memory_space<hbm>> -> memref<10128xf32, #tpu.memory_space<hbm>>
        tpu.enqueue_dma source(%arg7 : memref<10128xf32, #tpu.memory_space<vmem_shared>>) target(%dma_start3A_67 : memref<10128xf32, #tpu.memory_space<hbm>>) target_semaphore(%run_scoped3A : memref<!tpu.dma_semaphore, #tpu.memory_space<semaphore_mem>>)
        %dma_wait3A = arith.constant 0 : i32
        %dma_wait3A_68 = tpu.memref_slice %arg4[%arg0, %dma_wait3A] : memref<2x10128xf32, #tpu.memory_space<hbm>> -> memref<1x10128xf32, #tpu.memory_space<hbm>>
        %dma_wait3A_69 = tpu.memref_squeeze %dma_wait3A_68 : memref<1x10128xf32, #tpu.memory_space<hbm>> -> memref<10128xf32, #tpu.memory_space<hbm>>
        tpu.wait_dma2 semaphore(%run_scoped3A : memref<!tpu.dma_semaphore, #tpu.memory_space<semaphore_mem>>) src(%arg7 : memref<10128xf32, #tpu.memory_space<vmem_shared>>) dst(%dma_wait3A_69 : memref<10128xf32, #tpu.memory_space<hbm>>)
        tpu.yield
      }) : () -> ()
    } else {
    }
    return
  }
}

#map = affine_map<(d0, d1) -> (0, 0, 0)>
#map1 = affine_map<(d0, d1) -> (0, 0)>
module attributes {stable_mosaic.version = 14 : i64} {
  func.func @_scatter_kernel(%arg0: i32, %arg1: i32, %arg2: memref<32x79x128xi32, #tpu.memory_space<hbm>>, %arg3: memref<32x79x128xi32, #tpu.memory_space<hbm>>, %arg4: memref<10128x24xf32, #tpu.memory_space<hbm>>, %arg5: memref<10128x24xf32, #tpu.memory_space<hbm>>, %arg6: memref<2x10128x24xf32, #tpu.memory_space<hbm>>, %arg7: memref<79x128xi32, #tpu.memory_space<vmem>>, %arg8: memref<79x128xi32, #tpu.memory_space<vmem>>, %arg9: memref<24x128x24xf32, #tpu.memory_space<vmem>>, %arg10: memref<10128x24xf32, #tpu.memory_space<vmem_shared>>, %arg11: memref<!tpu.dma_semaphore, #tpu.memory_space<semaphore_mem>>, %arg12: memref<!tpu.dma_semaphore, #tpu.memory_space<semaphore_mem>>) attributes {dimension_semantics = [#tpu.dimension_semantics<core_parallel>, #tpu.dimension_semantics<subcore_parallel>], iteration_bounds = array<i64: 2, 16>, scalar_prefetch = 0 : i64, scratch_operands = 6 : i64, tpu.core_type = #tpu.core_type<sc_vector_subcore>, window_params = [{transform_indices = #map}, {transform_indices = #map}, {transform_indices = #map1}, {transform_indices = #map1}, {transform_indices = #map}]} {
    %mul3A = arith.constant 2 : i32
    %mul3A_0 = arith.muli %arg1, %mul3A : i32
    %add3A = arith.addi %mul3A_0, %arg0 : i32
    %eq3A = arith.constant 0 : i32
    %eq3A_1 = arith.cmpi eq, %arg1, %eq3A : i32
    %eq3A_2 = arith.constant 0 : i32
    %eq3A_3 = arith.cmpi eq, %arg0, %eq3A_2 : i32
    %and3A = arith.andi %eq3A_1, %eq3A_3 : i1
    %convert_element_type3A = arith.extui %and3A : i1 to i32
    %cond3A = arith.constant 0 : i32
    %cond3A_4 = arith.cmpi ne, %convert_element_type3A, %cond3A : i32
    scf.if %cond3A_4 {
      "tpu.region"() ({
        %run_scoped3A = tpu.sem_alloc : memref<!tpu.dma_semaphore, #tpu.memory_space<semaphore_mem>>
        tpu.enqueue_dma source(%arg4 : memref<10128x24xf32, #tpu.memory_space<hbm>>) target(%arg10 : memref<10128x24xf32, #tpu.memory_space<vmem_shared>>) target_semaphore(%run_scoped3A : memref<!tpu.dma_semaphore, #tpu.memory_space<semaphore_mem>>)
        tpu.wait_dma2 semaphore(%run_scoped3A : memref<!tpu.dma_semaphore, #tpu.memory_space<semaphore_mem>>) src(%arg4 : memref<10128x24xf32, #tpu.memory_space<hbm>>) dst(%arg10 : memref<10128x24xf32, #tpu.memory_space<vmem_shared>>)
        tpu.yield
      }) : () -> ()
    } else {
    }
    %eq3A_5 = arith.constant 0 : i32
    %eq3A_6 = arith.cmpi eq, %arg1, %eq3A_5 : i32
    %eq3A_7 = arith.constant 1 : i32
    %eq3A_8 = arith.cmpi eq, %arg0, %eq3A_7 : i32
    %and3A_9 = arith.andi %eq3A_6, %eq3A_8 : i1
    %convert_element_type3A_10 = arith.extui %and3A_9 : i1 to i32
    %cond3A_11 = arith.constant 0 : i32
    %cond3A_12 = arith.cmpi ne, %convert_element_type3A_10, %cond3A_11 : i32
    scf.if %cond3A_12 {
      "tpu.region"() ({
        %run_scoped3A = tpu.sem_alloc : memref<!tpu.dma_semaphore, #tpu.memory_space<semaphore_mem>>
        tpu.enqueue_dma source(%arg5 : memref<10128x24xf32, #tpu.memory_space<hbm>>) target(%arg10 : memref<10128x24xf32, #tpu.memory_space<vmem_shared>>) target_semaphore(%run_scoped3A : memref<!tpu.dma_semaphore, #tpu.memory_space<semaphore_mem>>)
        tpu.wait_dma2 semaphore(%run_scoped3A : memref<!tpu.dma_semaphore, #tpu.memory_space<semaphore_mem>>) src(%arg5 : memref<10128x24xf32, #tpu.memory_space<hbm>>) dst(%arg10 : memref<10128x24xf32, #tpu.memory_space<vmem_shared>>)
        tpu.yield
      }) : () -> ()
    } else {
    }
    "tpu.region"() ({
      %run_scoped3A = tpu.sem_alloc : memref<!tpu.dma_semaphore, #tpu.memory_space<semaphore_mem>>
      %dma_start3A_310 = arith.constant 0 : i32
      %dma_start3A_311 = arith.constant 0 : i32
      %dma_start3A_312 = tpu.memref_slice %arg2[%add3A, %dma_start3A_310, %dma_start3A_311] : memref<32x79x128xi32, #tpu.memory_space<hbm>> -> memref<1x79x128xi32, #tpu.memory_space<hbm>>
      %dma_start3A_313 = tpu.memref_squeeze %dma_start3A_312 : memref<1x79x128xi32, #tpu.memory_space<hbm>> -> memref<79x128xi32, #tpu.memory_space<hbm>>
      %dma_start3A_314 = arith.constant 0 : i32
      %dma_start3A_315 = arith.constant 0 : i32
      %dma_start3A_316 = tpu.memref_slice %arg2[%add3A, %dma_start3A_314, %dma_start3A_315] : memref<32x79x128xi32, #tpu.memory_space<hbm>> -> memref<1x79x128xi32, #tpu.memory_space<hbm>>
      %dma_start3A_317 = tpu.memref_squeeze %dma_start3A_316 : memref<1x79x128xi32, #tpu.memory_space<hbm>> -> memref<79x128xi32, #tpu.memory_space<hbm>>
      tpu.enqueue_dma source(%dma_start3A_317 : memref<79x128xi32, #tpu.memory_space<hbm>>) target(%arg7 : memref<79x128xi32, #tpu.memory_space<vmem>>) target_semaphore(%run_scoped3A : memref<!tpu.dma_semaphore, #tpu.memory_space<semaphore_mem>>)
      %dma_wait3A_318 = arith.constant 0 : i32
      %dma_wait3A_319 = arith.constant 0 : i32
      %dma_wait3A_320 = tpu.memref_slice %arg2[%add3A, %dma_wait3A_318, %dma_wait3A_319] : memref<32x79x128xi32, #tpu.memory_space<hbm>> -> memref<1x79x128xi32, #tpu.memory_space<hbm>>
      %dma_wait3A_321 = tpu.memref_squeeze %dma_wait3A_320 : memref<1x79x128xi32, #tpu.memory_space<hbm>> -> memref<79x128xi32, #tpu.memory_space<hbm>>
      %dma_wait3A_322 = arith.constant 0 : i32
      %dma_wait3A_323 = arith.constant 0 : i32
      %dma_wait3A_324 = tpu.memref_slice %arg2[%add3A, %dma_wait3A_322, %dma_wait3A_323] : memref<32x79x128xi32, #tpu.memory_space<hbm>> -> memref<1x79x128xi32, #tpu.memory_space<hbm>>
      %dma_wait3A_325 = tpu.memref_squeeze %dma_wait3A_324 : memref<1x79x128xi32, #tpu.memory_space<hbm>> -> memref<79x128xi32, #tpu.memory_space<hbm>>
      tpu.wait_dma2 semaphore(%run_scoped3A : memref<!tpu.dma_semaphore, #tpu.memory_space<semaphore_mem>>) src(%dma_wait3A_325 : memref<79x128xi32, #tpu.memory_space<hbm>>) dst(%arg7 : memref<79x128xi32, #tpu.memory_space<vmem>>)
      tpu.yield
    }) : () -> ()
    "tpu.region"() ({
      %run_scoped3A = tpu.sem_alloc : memref<!tpu.dma_semaphore, #tpu.memory_space<semaphore_mem>>
      %dma_start3A_310 = arith.constant 0 : i32
      %dma_start3A_311 = arith.constant 0 : i32
      %dma_start3A_312 = tpu.memref_slice %arg3[%add3A, %dma_start3A_310, %dma_start3A_311] : memref<32x79x128xi32, #tpu.memory_space<hbm>> -> memref<1x79x128xi32, #tpu.memory_space<hbm>>
      %dma_start3A_313 = tpu.memref_squeeze %dma_start3A_312 : memref<1x79x128xi32, #tpu.memory_space<hbm>> -> memref<79x128xi32, #tpu.memory_space<hbm>>
      %dma_start3A_314 = arith.constant 0 : i32
      %dma_start3A_315 = arith.constant 0 : i32
      %dma_start3A_316 = tpu.memref_slice %arg3[%add3A, %dma_start3A_314, %dma_start3A_315] : memref<32x79x128xi32, #tpu.memory_space<hbm>> -> memref<1x79x128xi32, #tpu.memory_space<hbm>>
      %dma_start3A_317 = tpu.memref_squeeze %dma_start3A_316 : memref<1x79x128xi32, #tpu.memory_space<hbm>> -> memref<79x128xi32, #tpu.memory_space<hbm>>
      tpu.enqueue_dma source(%dma_start3A_317 : memref<79x128xi32, #tpu.memory_space<hbm>>) target(%arg8 : memref<79x128xi32, #tpu.memory_space<vmem>>) target_semaphore(%run_scoped3A : memref<!tpu.dma_semaphore, #tpu.memory_space<semaphore_mem>>)
      %dma_wait3A_318 = arith.constant 0 : i32
      %dma_wait3A_319 = arith.constant 0 : i32
      %dma_wait3A_320 = tpu.memref_slice %arg3[%add3A, %dma_wait3A_318, %dma_wait3A_319] : memref<32x79x128xi32, #tpu.memory_space<hbm>> -> memref<1x79x128xi32, #tpu.memory_space<hbm>>
      %dma_wait3A_321 = tpu.memref_squeeze %dma_wait3A_320 : memref<1x79x128xi32, #tpu.memory_space<hbm>> -> memref<79x128xi32, #tpu.memory_space<hbm>>
      %dma_wait3A_322 = arith.constant 0 : i32
      %dma_wait3A_323 = arith.constant 0 : i32
      %dma_wait3A_324 = tpu.memref_slice %arg3[%add3A, %dma_wait3A_322, %dma_wait3A_323] : memref<32x79x128xi32, #tpu.memory_space<hbm>> -> memref<1x79x128xi32, #tpu.memory_space<hbm>>
      %dma_wait3A_325 = tpu.memref_squeeze %dma_wait3A_324 : memref<1x79x128xi32, #tpu.memory_space<hbm>> -> memref<79x128xi32, #tpu.memory_space<hbm>>
      tpu.wait_dma2 semaphore(%run_scoped3A : memref<!tpu.dma_semaphore, #tpu.memory_space<semaphore_mem>>) src(%dma_wait3A_325 : memref<79x128xi32, #tpu.memory_space<hbm>>) dst(%arg8 : memref<79x128xi32, #tpu.memory_space<vmem>>)
      tpu.yield
    }) : () -> ()
    %barrier3A = arith.constant 0 : index
    tpu.barrier barrier_id(%barrier3A)
    %dma_start3A = arith.constant 0 : i32
    %dma_start3A_13 = arith.constant 0 : i32
    %dma_start3A_14 = arith.constant 0 : i32
    %dma_start3A_15 = arith.constant 0 : i32
    %dma_start3A_16 = tpu.memref_slice %arg9[%dma_start3A_13, %dma_start3A_14, %dma_start3A_15] : memref<24x128x24xf32, #tpu.memory_space<vmem>> -> memref<1x128x24xf32, #tpu.memory_space<vmem>>
    %dma_start3A_17 = tpu.memref_squeeze %dma_start3A_16 : memref<1x128x24xf32, #tpu.memory_space<vmem>> -> memref<128x24xf32, #tpu.memory_space<vmem>>
    %dma_start3A_18 = arith.constant 0 : i32
    %dma_start3A_19 = tpu.memref_slice %arg7[%dma_start3A, %dma_start3A_18] : memref<79x128xi32, #tpu.memory_space<vmem>> -> memref<1x128xi32, #tpu.memory_space<vmem>>
    %dma_start3A_20 = tpu.memref_squeeze %dma_start3A_19 : memref<1x128xi32, #tpu.memory_space<vmem>> -> memref<128xi32, #tpu.memory_space<vmem>>
    %dma_start3A_21 = arith.constant 0 : i32
    %dma_start3A_22 = arith.constant 0 : i32
    %dma_start3A_23 = tpu.memref_slice %arg4[%dma_start3A_21, %dma_start3A_22] : memref<10128x24xf32, #tpu.memory_space<hbm>> -> memref<10128x24xf32, #tpu.memory_space<hbm>>
    tpu.enqueue_indirect_dma source(%dma_start3A_23 : memref<10128x24xf32, #tpu.memory_space<hbm>>) target(%dma_start3A_17 : memref<128x24xf32, #tpu.memory_space<vmem>>) offsets(%dma_start3A_20 : memref<128xi32, #tpu.memory_space<vmem>>) semaphore(%arg11 : memref<!tpu.dma_semaphore, #tpu.memory_space<semaphore_mem>>)
    %dma_start3A_24 = arith.constant 1 : i32
    %dma_start3A_25 = arith.constant 1 : i32
    %dma_start3A_26 = arith.constant 0 : i32
    %dma_start3A_27 = arith.constant 0 : i32
    %dma_start3A_28 = tpu.memref_slice %arg9[%dma_start3A_25, %dma_start3A_26, %dma_start3A_27] : memref<24x128x24xf32, #tpu.memory_space<vmem>> -> memref<1x128x24xf32, #tpu.memory_space<vmem>>
    %dma_start3A_29 = tpu.memref_squeeze %dma_start3A_28 : memref<1x128x24xf32, #tpu.memory_space<vmem>> -> memref<128x24xf32, #tpu.memory_space<vmem>>
    %dma_start3A_30 = arith.constant 0 : i32
    %dma_start3A_31 = tpu.memref_slice %arg7[%dma_start3A_24, %dma_start3A_30] : memref<79x128xi32, #tpu.memory_space<vmem>> -> memref<1x128xi32, #tpu.memory_space<vmem>>
    %dma_start3A_32 = tpu.memref_squeeze %dma_start3A_31 : memref<1x128xi32, #tpu.memory_space<vmem>> -> memref<128xi32, #tpu.memory_space<vmem>>
    %dma_start3A_33 = arith.constant 0 : i32
    %dma_start3A_34 = arith.constant 0 : i32
    %dma_start3A_35 = tpu.memref_slice %arg4[%dma_start3A_33, %dma_start3A_34] : memref<10128x24xf32, #tpu.memory_space<hbm>> -> memref<10128x24xf32, #tpu.memory_space<hbm>>
    tpu.enqueue_indirect_dma source(%dma_start3A_35 : memref<10128x24xf32, #tpu.memory_space<hbm>>) target(%dma_start3A_29 : memref<128x24xf32, #tpu.memory_space<vmem>>) offsets(%dma_start3A_32 : memref<128xi32, #tpu.memory_space<vmem>>) semaphore(%arg11 : memref<!tpu.dma_semaphore, #tpu.memory_space<semaphore_mem>>)
    %dma_start3A_36 = arith.constant 2 : i32
    %dma_start3A_37 = arith.constant 2 : i32
    %dma_start3A_38 = arith.constant 0 : i32
    %dma_start3A_39 = arith.constant 0 : i32
    %dma_start3A_40 = tpu.memref_slice %arg9[%dma_start3A_37, %dma_start3A_38, %dma_start3A_39] : memref<24x128x24xf32, #tpu.memory_space<vmem>> -> memref<1x128x24xf32, #tpu.memory_space<vmem>>
    %dma_start3A_41 = tpu.memref_squeeze %dma_start3A_40 : memref<1x128x24xf32, #tpu.memory_space<vmem>> -> memref<128x24xf32, #tpu.memory_space<vmem>>
    %dma_start3A_42 = arith.constant 0 : i32
    %dma_start3A_43 = tpu.memref_slice %arg7[%dma_start3A_36, %dma_start3A_42] : memref<79x128xi32, #tpu.memory_space<vmem>> -> memref<1x128xi32, #tpu.memory_space<vmem>>
    %dma_start3A_44 = tpu.memref_squeeze %dma_start3A_43 : memref<1x128xi32, #tpu.memory_space<vmem>> -> memref<128xi32, #tpu.memory_space<vmem>>
    %dma_start3A_45 = arith.constant 0 : i32
    %dma_start3A_46 = arith.constant 0 : i32
    %dma_start3A_47 = tpu.memref_slice %arg4[%dma_start3A_45, %dma_start3A_46] : memref<10128x24xf32, #tpu.memory_space<hbm>> -> memref<10128x24xf32, #tpu.memory_space<hbm>>
    tpu.enqueue_indirect_dma source(%dma_start3A_47 : memref<10128x24xf32, #tpu.memory_space<hbm>>) target(%dma_start3A_41 : memref<128x24xf32, #tpu.memory_space<vmem>>) offsets(%dma_start3A_44 : memref<128xi32, #tpu.memory_space<vmem>>) semaphore(%arg11 : memref<!tpu.dma_semaphore, #tpu.memory_space<semaphore_mem>>)
    %dma_start3A_48 = arith.constant 3 : i32
    %dma_start3A_49 = arith.constant 3 : i32
    %dma_start3A_50 = arith.constant 0 : i32
    %dma_start3A_51 = arith.constant 0 : i32
    %dma_start3A_52 = tpu.memref_slice %arg9[%dma_start3A_49, %dma_start3A_50, %dma_start3A_51] : memref<24x128x24xf32, #tpu.memory_space<vmem>> -> memref<1x128x24xf32, #tpu.memory_space<vmem>>
    %dma_start3A_53 = tpu.memref_squeeze %dma_start3A_52 : memref<1x128x24xf32, #tpu.memory_space<vmem>> -> memref<128x24xf32, #tpu.memory_space<vmem>>
    %dma_start3A_54 = arith.constant 0 : i32
    %dma_start3A_55 = tpu.memref_slice %arg7[%dma_start3A_48, %dma_start3A_54] : memref<79x128xi32, #tpu.memory_space<vmem>> -> memref<1x128xi32, #tpu.memory_space<vmem>>
    %dma_start3A_56 = tpu.memref_squeeze %dma_start3A_55 : memref<1x128xi32, #tpu.memory_space<vmem>> -> memref<128xi32, #tpu.memory_space<vmem>>
    %dma_start3A_57 = arith.constant 0 : i32
    %dma_start3A_58 = arith.constant 0 : i32
    %dma_start3A_59 = tpu.memref_slice %arg4[%dma_start3A_57, %dma_start3A_58] : memref<10128x24xf32, #tpu.memory_space<hbm>> -> memref<10128x24xf32, #tpu.memory_space<hbm>>
    tpu.enqueue_indirect_dma source(%dma_start3A_59 : memref<10128x24xf32, #tpu.memory_space<hbm>>) target(%dma_start3A_53 : memref<128x24xf32, #tpu.memory_space<vmem>>) offsets(%dma_start3A_56 : memref<128xi32, #tpu.memory_space<vmem>>) semaphore(%arg11 : memref<!tpu.dma_semaphore, #tpu.memory_space<semaphore_mem>>)
    %dma_start3A_60 = arith.constant 4 : i32
    %dma_start3A_61 = arith.constant 4 : i32
    %dma_start3A_62 = arith.constant 0 : i32
    %dma_start3A_63 = arith.constant 0 : i32
    %dma_start3A_64 = tpu.memref_slice %arg9[%dma_start3A_61, %dma_start3A_62, %dma_start3A_63] : memref<24x128x24xf32, #tpu.memory_space<vmem>> -> memref<1x128x24xf32, #tpu.memory_space<vmem>>
    %dma_start3A_65 = tpu.memref_squeeze %dma_start3A_64 : memref<1x128x24xf32, #tpu.memory_space<vmem>> -> memref<128x24xf32, #tpu.memory_space<vmem>>
    %dma_start3A_66 = arith.constant 0 : i32
    %dma_start3A_67 = tpu.memref_slice %arg7[%dma_start3A_60, %dma_start3A_66] : memref<79x128xi32, #tpu.memory_space<vmem>> -> memref<1x128xi32, #tpu.memory_space<vmem>>
    %dma_start3A_68 = tpu.memref_squeeze %dma_start3A_67 : memref<1x128xi32, #tpu.memory_space<vmem>> -> memref<128xi32, #tpu.memory_space<vmem>>
    %dma_start3A_69 = arith.constant 0 : i32
    %dma_start3A_70 = arith.constant 0 : i32
    %dma_start3A_71 = tpu.memref_slice %arg4[%dma_start3A_69, %dma_start3A_70] : memref<10128x24xf32, #tpu.memory_space<hbm>> -> memref<10128x24xf32, #tpu.memory_space<hbm>>
    tpu.enqueue_indirect_dma source(%dma_start3A_71 : memref<10128x24xf32, #tpu.memory_space<hbm>>) target(%dma_start3A_65 : memref<128x24xf32, #tpu.memory_space<vmem>>) offsets(%dma_start3A_68 : memref<128xi32, #tpu.memory_space<vmem>>) semaphore(%arg11 : memref<!tpu.dma_semaphore, #tpu.memory_space<semaphore_mem>>)
    %dma_start3A_72 = arith.constant 5 : i32
    %dma_start3A_73 = arith.constant 5 : i32
    %dma_start3A_74 = arith.constant 0 : i32
    %dma_start3A_75 = arith.constant 0 : i32
    %dma_start3A_76 = tpu.memref_slice %arg9[%dma_start3A_73, %dma_start3A_74, %dma_start3A_75] : memref<24x128x24xf32, #tpu.memory_space<vmem>> -> memref<1x128x24xf32, #tpu.memory_space<vmem>>
    %dma_start3A_77 = tpu.memref_squeeze %dma_start3A_76 : memref<1x128x24xf32, #tpu.memory_space<vmem>> -> memref<128x24xf32, #tpu.memory_space<vmem>>
    %dma_start3A_78 = arith.constant 0 : i32
    %dma_start3A_79 = tpu.memref_slice %arg7[%dma_start3A_72, %dma_start3A_78] : memref<79x128xi32, #tpu.memory_space<vmem>> -> memref<1x128xi32, #tpu.memory_space<vmem>>
    %dma_start3A_80 = tpu.memref_squeeze %dma_start3A_79 : memref<1x128xi32, #tpu.memory_space<vmem>> -> memref<128xi32, #tpu.memory_space<vmem>>
    %dma_start3A_81 = arith.constant 0 : i32
    %dma_start3A_82 = arith.constant 0 : i32
    %dma_start3A_83 = tpu.memref_slice %arg4[%dma_start3A_81, %dma_start3A_82] : memref<10128x24xf32, #tpu.memory_space<hbm>> -> memref<10128x24xf32, #tpu.memory_space<hbm>>
    tpu.enqueue_indirect_dma source(%dma_start3A_83 : memref<10128x24xf32, #tpu.memory_space<hbm>>) target(%dma_start3A_77 : memref<128x24xf32, #tpu.memory_space<vmem>>) offsets(%dma_start3A_80 : memref<128xi32, #tpu.memory_space<vmem>>) semaphore(%arg11 : memref<!tpu.dma_semaphore, #tpu.memory_space<semaphore_mem>>)
    %dma_start3A_84 = arith.constant 6 : i32
    %dma_start3A_85 = arith.constant 6 : i32
    %dma_start3A_86 = arith.constant 0 : i32
    %dma_start3A_87 = arith.constant 0 : i32
    %dma_start3A_88 = tpu.memref_slice %arg9[%dma_start3A_85, %dma_start3A_86, %dma_start3A_87] : memref<24x128x24xf32, #tpu.memory_space<vmem>> -> memref<1x128x24xf32, #tpu.memory_space<vmem>>
    %dma_start3A_89 = tpu.memref_squeeze %dma_start3A_88 : memref<1x128x24xf32, #tpu.memory_space<vmem>> -> memref<128x24xf32, #tpu.memory_space<vmem>>
    %dma_start3A_90 = arith.constant 0 : i32
    %dma_start3A_91 = tpu.memref_slice %arg7[%dma_start3A_84, %dma_start3A_90] : memref<79x128xi32, #tpu.memory_space<vmem>> -> memref<1x128xi32, #tpu.memory_space<vmem>>
    %dma_start3A_92 = tpu.memref_squeeze %dma_start3A_91 : memref<1x128xi32, #tpu.memory_space<vmem>> -> memref<128xi32, #tpu.memory_space<vmem>>
    %dma_start3A_93 = arith.constant 0 : i32
    %dma_start3A_94 = arith.constant 0 : i32
    %dma_start3A_95 = tpu.memref_slice %arg4[%dma_start3A_93, %dma_start3A_94] : memref<10128x24xf32, #tpu.memory_space<hbm>> -> memref<10128x24xf32, #tpu.memory_space<hbm>>
    tpu.enqueue_indirect_dma source(%dma_start3A_95 : memref<10128x24xf32, #tpu.memory_space<hbm>>) target(%dma_start3A_89 : memref<128x24xf32, #tpu.memory_space<vmem>>) offsets(%dma_start3A_92 : memref<128xi32, #tpu.memory_space<vmem>>) semaphore(%arg11 : memref<!tpu.dma_semaphore, #tpu.memory_space<semaphore_mem>>)
    %dma_start3A_96 = arith.constant 7 : i32
    %dma_start3A_97 = arith.constant 7 : i32
    %dma_start3A_98 = arith.constant 0 : i32
    %dma_start3A_99 = arith.constant 0 : i32
    %dma_start3A_100 = tpu.memref_slice %arg9[%dma_start3A_97, %dma_start3A_98, %dma_start3A_99] : memref<24x128x24xf32, #tpu.memory_space<vmem>> -> memref<1x128x24xf32, #tpu.memory_space<vmem>>
    %dma_start3A_101 = tpu.memref_squeeze %dma_start3A_100 : memref<1x128x24xf32, #tpu.memory_space<vmem>> -> memref<128x24xf32, #tpu.memory_space<vmem>>
    %dma_start3A_102 = arith.constant 0 : i32
    %dma_start3A_103 = tpu.memref_slice %arg7[%dma_start3A_96, %dma_start3A_102] : memref<79x128xi32, #tpu.memory_space<vmem>> -> memref<1x128xi32, #tpu.memory_space<vmem>>
    %dma_start3A_104 = tpu.memref_squeeze %dma_start3A_103 : memref<1x128xi32, #tpu.memory_space<vmem>> -> memref<128xi32, #tpu.memory_space<vmem>>
    %dma_start3A_105 = arith.constant 0 : i32
    %dma_start3A_106 = arith.constant 0 : i32
    %dma_start3A_107 = tpu.memref_slice %arg4[%dma_start3A_105, %dma_start3A_106] : memref<10128x24xf32, #tpu.memory_space<hbm>> -> memref<10128x24xf32, #tpu.memory_space<hbm>>
    tpu.enqueue_indirect_dma source(%dma_start3A_107 : memref<10128x24xf32, #tpu.memory_space<hbm>>) target(%dma_start3A_101 : memref<128x24xf32, #tpu.memory_space<vmem>>) offsets(%dma_start3A_104 : memref<128xi32, #tpu.memory_space<vmem>>) semaphore(%arg11 : memref<!tpu.dma_semaphore, #tpu.memory_space<semaphore_mem>>)
    %dma_start3A_108 = arith.constant 8 : i32
    %dma_start3A_109 = arith.constant 8 : i32
    %dma_start3A_110 = arith.constant 0 : i32
    %dma_start3A_111 = arith.constant 0 : i32
    %dma_start3A_112 = tpu.memref_slice %arg9[%dma_start3A_109, %dma_start3A_110, %dma_start3A_111] : memref<24x128x24xf32, #tpu.memory_space<vmem>> -> memref<1x128x24xf32, #tpu.memory_space<vmem>>
    %dma_start3A_113 = tpu.memref_squeeze %dma_start3A_112 : memref<1x128x24xf32, #tpu.memory_space<vmem>> -> memref<128x24xf32, #tpu.memory_space<vmem>>
    %dma_start3A_114 = arith.constant 0 : i32
    %dma_start3A_115 = tpu.memref_slice %arg7[%dma_start3A_108, %dma_start3A_114] : memref<79x128xi32, #tpu.memory_space<vmem>> -> memref<1x128xi32, #tpu.memory_space<vmem>>
    %dma_start3A_116 = tpu.memref_squeeze %dma_start3A_115 : memref<1x128xi32, #tpu.memory_space<vmem>> -> memref<128xi32, #tpu.memory_space<vmem>>
    %dma_start3A_117 = arith.constant 0 : i32
    %dma_start3A_118 = arith.constant 0 : i32
    %dma_start3A_119 = tpu.memref_slice %arg4[%dma_start3A_117, %dma_start3A_118] : memref<10128x24xf32, #tpu.memory_space<hbm>> -> memref<10128x24xf32, #tpu.memory_space<hbm>>
    tpu.enqueue_indirect_dma source(%dma_start3A_119 : memref<10128x24xf32, #tpu.memory_space<hbm>>) target(%dma_start3A_113 : memref<128x24xf32, #tpu.memory_space<vmem>>) offsets(%dma_start3A_116 : memref<128xi32, #tpu.memory_space<vmem>>) semaphore(%arg11 : memref<!tpu.dma_semaphore, #tpu.memory_space<semaphore_mem>>)
    %dma_start3A_120 = arith.constant 9 : i32
    %dma_start3A_121 = arith.constant 9 : i32
    %dma_start3A_122 = arith.constant 0 : i32
    %dma_start3A_123 = arith.constant 0 : i32
    %dma_start3A_124 = tpu.memref_slice %arg9[%dma_start3A_121, %dma_start3A_122, %dma_start3A_123] : memref<24x128x24xf32, #tpu.memory_space<vmem>> -> memref<1x128x24xf32, #tpu.memory_space<vmem>>
    %dma_start3A_125 = tpu.memref_squeeze %dma_start3A_124 : memref<1x128x24xf32, #tpu.memory_space<vmem>> -> memref<128x24xf32, #tpu.memory_space<vmem>>
    %dma_start3A_126 = arith.constant 0 : i32
    %dma_start3A_127 = tpu.memref_slice %arg7[%dma_start3A_120, %dma_start3A_126] : memref<79x128xi32, #tpu.memory_space<vmem>> -> memref<1x128xi32, #tpu.memory_space<vmem>>
    %dma_start3A_128 = tpu.memref_squeeze %dma_start3A_127 : memref<1x128xi32, #tpu.memory_space<vmem>> -> memref<128xi32, #tpu.memory_space<vmem>>
    %dma_start3A_129 = arith.constant 0 : i32
    %dma_start3A_130 = arith.constant 0 : i32
    %dma_start3A_131 = tpu.memref_slice %arg4[%dma_start3A_129, %dma_start3A_130] : memref<10128x24xf32, #tpu.memory_space<hbm>> -> memref<10128x24xf32, #tpu.memory_space<hbm>>
    tpu.enqueue_indirect_dma source(%dma_start3A_131 : memref<10128x24xf32, #tpu.memory_space<hbm>>) target(%dma_start3A_125 : memref<128x24xf32, #tpu.memory_space<vmem>>) offsets(%dma_start3A_128 : memref<128xi32, #tpu.memory_space<vmem>>) semaphore(%arg11 : memref<!tpu.dma_semaphore, #tpu.memory_space<semaphore_mem>>)
    %dma_start3A_132 = arith.constant 10 : i32
    %dma_start3A_133 = arith.constant 10 : i32
    %dma_start3A_134 = arith.constant 0 : i32
    %dma_start3A_135 = arith.constant 0 : i32
    %dma_start3A_136 = tpu.memref_slice %arg9[%dma_start3A_133, %dma_start3A_134, %dma_start3A_135] : memref<24x128x24xf32, #tpu.memory_space<vmem>> -> memref<1x128x24xf32, #tpu.memory_space<vmem>>
    %dma_start3A_137 = tpu.memref_squeeze %dma_start3A_136 : memref<1x128x24xf32, #tpu.memory_space<vmem>> -> memref<128x24xf32, #tpu.memory_space<vmem>>
    %dma_start3A_138 = arith.constant 0 : i32
    %dma_start3A_139 = tpu.memref_slice %arg7[%dma_start3A_132, %dma_start3A_138] : memref<79x128xi32, #tpu.memory_space<vmem>> -> memref<1x128xi32, #tpu.memory_space<vmem>>
    %dma_start3A_140 = tpu.memref_squeeze %dma_start3A_139 : memref<1x128xi32, #tpu.memory_space<vmem>> -> memref<128xi32, #tpu.memory_space<vmem>>
    %dma_start3A_141 = arith.constant 0 : i32
    %dma_start3A_142 = arith.constant 0 : i32
    %dma_start3A_143 = tpu.memref_slice %arg4[%dma_start3A_141, %dma_start3A_142] : memref<10128x24xf32, #tpu.memory_space<hbm>> -> memref<10128x24xf32, #tpu.memory_space<hbm>>
    tpu.enqueue_indirect_dma source(%dma_start3A_143 : memref<10128x24xf32, #tpu.memory_space<hbm>>) target(%dma_start3A_137 : memref<128x24xf32, #tpu.memory_space<vmem>>) offsets(%dma_start3A_140 : memref<128xi32, #tpu.memory_space<vmem>>) semaphore(%arg11 : memref<!tpu.dma_semaphore, #tpu.memory_space<semaphore_mem>>)
    %dma_start3A_144 = arith.constant 11 : i32
    %dma_start3A_145 = arith.constant 11 : i32
    %dma_start3A_146 = arith.constant 0 : i32
    %dma_start3A_147 = arith.constant 0 : i32
    %dma_start3A_148 = tpu.memref_slice %arg9[%dma_start3A_145, %dma_start3A_146, %dma_start3A_147] : memref<24x128x24xf32, #tpu.memory_space<vmem>> -> memref<1x128x24xf32, #tpu.memory_space<vmem>>
    %dma_start3A_149 = tpu.memref_squeeze %dma_start3A_148 : memref<1x128x24xf32, #tpu.memory_space<vmem>> -> memref<128x24xf32, #tpu.memory_space<vmem>>
    %dma_start3A_150 = arith.constant 0 : i32
    %dma_start3A_151 = tpu.memref_slice %arg7[%dma_start3A_144, %dma_start3A_150] : memref<79x128xi32, #tpu.memory_space<vmem>> -> memref<1x128xi32, #tpu.memory_space<vmem>>
    %dma_start3A_152 = tpu.memref_squeeze %dma_start3A_151 : memref<1x128xi32, #tpu.memory_space<vmem>> -> memref<128xi32, #tpu.memory_space<vmem>>
    %dma_start3A_153 = arith.constant 0 : i32
    %dma_start3A_154 = arith.constant 0 : i32
    %dma_start3A_155 = tpu.memref_slice %arg4[%dma_start3A_153, %dma_start3A_154] : memref<10128x24xf32, #tpu.memory_space<hbm>> -> memref<10128x24xf32, #tpu.memory_space<hbm>>
    tpu.enqueue_indirect_dma source(%dma_start3A_155 : memref<10128x24xf32, #tpu.memory_space<hbm>>) target(%dma_start3A_149 : memref<128x24xf32, #tpu.memory_space<vmem>>) offsets(%dma_start3A_152 : memref<128xi32, #tpu.memory_space<vmem>>) semaphore(%arg11 : memref<!tpu.dma_semaphore, #tpu.memory_space<semaphore_mem>>)
    %scan3A = arith.constant 0 : i32
    %scan3A_156 = arith.constant 0 : i32
    %scan3A_157 = arith.constant 79 : i32
    %scan3A_158 = arith.addi %scan3A_156, %scan3A_157 : i32
    %scan3A_159 = arith.constant 1 : i32
    scf.for %scan3A_310 = %scan3A_156 to %scan3A_158 step %scan3A_159  : i32 {
      %ge3A = arith.constant 12 : i32
      %ge3A_311 = arith.cmpi sge, %scan3A_310, %ge3A : i32
      %convert_element_type3A_312 = arith.extui %ge3A_311 : i1 to i32
      %cond3A_313 = arith.constant 0 : i32
      %cond3A_314 = arith.cmpi ne, %convert_element_type3A_312, %cond3A_313 : i32
      scf.if %cond3A_314 {
        %dma_wait3A_369 = arith.constant 0 : i32
        %dma_wait3A_370 = arith.constant 0 : i32
        %dma_wait3A_371 = arith.constant 0 : i32
        %dma_wait3A_372 = arith.constant 0 : i32
        %dma_wait3A_373 = tpu.memref_slice %arg9[%dma_wait3A_369, %dma_wait3A_371, %dma_wait3A_372] : memref<24x128x24xf32, #tpu.memory_space<vmem>> -> memref<1x128x24xf32, #tpu.memory_space<vmem>>
        %dma_wait3A_374 = tpu.memref_squeeze %dma_wait3A_373 : memref<1x128x24xf32, #tpu.memory_space<vmem>> -> memref<128x24xf32, #tpu.memory_space<vmem>>
        %dma_wait3A_375 = arith.constant 0 : i32
        %dma_wait3A_376 = tpu.memref_slice %arg8[%dma_wait3A_370, %dma_wait3A_375] : memref<79x128xi32, #tpu.memory_space<vmem>> -> memref<1x128xi32, #tpu.memory_space<vmem>>
        %dma_wait3A_377 = tpu.memref_squeeze %dma_wait3A_376 : memref<1x128xi32, #tpu.memory_space<vmem>> -> memref<128xi32, #tpu.memory_space<vmem>>
        %dma_wait3A_378 = arith.constant 0 : i32
        %dma_wait3A_379 = arith.constant 0 : i32
        %dma_wait3A_380 = tpu.memref_slice %arg10[%dma_wait3A_378, %dma_wait3A_379] : memref<10128x24xf32, #tpu.memory_space<vmem_shared>> -> memref<10128x24xf32, #tpu.memory_space<vmem_shared>>
        tpu.wait_indirect_dma semaphore(%arg12 : memref<!tpu.dma_semaphore, #tpu.memory_space<semaphore_mem>>) src(%dma_wait3A_374 : memref<128x24xf32, #tpu.memory_space<vmem>>) dst(%dma_wait3A_380 : memref<10128x24xf32, #tpu.memory_space<vmem_shared>>)
      } else {
      }
      %jit3A = arith.constant 24 : i32
      %eq3A_315 = arith.constant 0 : i32
      %eq3A_316 = arith.cmpi eq, %jit3A, %eq3A_315 : i32
      %jit3A_317 = arith.constant 1 : i32
      %select_n3A = arith.select %eq3A_316, %jit3A_317, %jit3A : i32
      %rem3A = arith.remsi %scan3A_310, %select_n3A : i32
      %ne3A = arith.constant 0 : i32
      %ne3A_318 = arith.cmpi ne, %rem3A, %ne3A : i32
      %lt3A = arith.constant 0 : i32
      %lt3A_319 = arith.cmpi slt, %rem3A, %lt3A : i32
      %lt3A_320 = arith.constant 0 : i32
      %lt3A_321 = arith.cmpi slt, %select_n3A, %lt3A_320 : i32
      %ne3A_322 = arith.xori %lt3A_319, %lt3A_321 : i1
      %and3A_323 = arith.andi %ne3A_322, %ne3A_318 : i1
      %add3A_324 = arith.addi %rem3A, %select_n3A : i32
      %select_n3A_325 = arith.select %and3A_323, %add3A_324, %rem3A : i32
      %dma_wait3A_326 = arith.constant 0 : i32
      %dma_wait3A_327 = arith.constant 0 : i32
      %dma_wait3A_328 = tpu.memref_slice %arg9[%select_n3A_325, %dma_wait3A_326, %dma_wait3A_327] : memref<24x128x24xf32, #tpu.memory_space<vmem>> -> memref<1x128x24xf32, #tpu.memory_space<vmem>>
      %dma_wait3A_329 = tpu.memref_squeeze %dma_wait3A_328 : memref<1x128x24xf32, #tpu.memory_space<vmem>> -> memref<128x24xf32, #tpu.memory_space<vmem>>
      %dma_wait3A_330 = arith.constant 0 : i32
      %dma_wait3A_331 = tpu.memref_slice %arg7[%scan3A_310, %dma_wait3A_330] : memref<79x128xi32, #tpu.memory_space<vmem>> -> memref<1x128xi32, #tpu.memory_space<vmem>>
      %dma_wait3A_332 = tpu.memref_squeeze %dma_wait3A_331 : memref<1x128xi32, #tpu.memory_space<vmem>> -> memref<128xi32, #tpu.memory_space<vmem>>
      %dma_wait3A_333 = arith.constant 0 : i32
      %dma_wait3A_334 = arith.constant 0 : i32
      %dma_wait3A_335 = tpu.memref_slice %arg4[%dma_wait3A_333, %dma_wait3A_334] : memref<10128x24xf32, #tpu.memory_space<hbm>> -> memref<10128x24xf32, #tpu.memory_space<hbm>>
      tpu.wait_indirect_dma semaphore(%arg11 : memref<!tpu.dma_semaphore, #tpu.memory_space<semaphore_mem>>) src(%dma_wait3A_335 : memref<10128x24xf32, #tpu.memory_space<hbm>>) dst(%dma_wait3A_329 : memref<128x24xf32, #tpu.memory_space<vmem>>)
      %jit3A_336 = arith.constant 24 : i32
      %eq3A_337 = arith.constant 0 : i32
      %eq3A_338 = arith.cmpi eq, %jit3A_336, %eq3A_337 : i32
      %jit3A_339 = arith.constant 1 : i32
      %select_n3A_340 = arith.select %eq3A_338, %jit3A_339, %jit3A_336 : i32
      %rem3A_341 = arith.remsi %scan3A_310, %select_n3A_340 : i32
      %ne3A_342 = arith.constant 0 : i32
      %ne3A_343 = arith.cmpi ne, %rem3A_341, %ne3A_342 : i32
      %lt3A_344 = arith.constant 0 : i32
      %lt3A_345 = arith.cmpi slt, %rem3A_341, %lt3A_344 : i32
      %lt3A_346 = arith.constant 0 : i32
      %lt3A_347 = arith.cmpi slt, %select_n3A_340, %lt3A_346 : i32
      %ne3A_348 = arith.xori %lt3A_345, %lt3A_347 : i1
      %and3A_349 = arith.andi %ne3A_348, %ne3A_343 : i1
      %add3A_350 = arith.addi %rem3A_341, %select_n3A_340 : i32
      %select_n3A_351 = arith.select %and3A_349, %add3A_350, %rem3A_341 : i32
      %dma_start3A_352 = arith.constant 0 : i32
      %dma_start3A_353 = arith.constant 0 : i32
      %dma_start3A_354 = tpu.memref_slice %arg9[%select_n3A_351, %dma_start3A_352, %dma_start3A_353] : memref<24x128x24xf32, #tpu.memory_space<vmem>> -> memref<1x128x24xf32, #tpu.memory_space<vmem>>
      %dma_start3A_355 = tpu.memref_squeeze %dma_start3A_354 : memref<1x128x24xf32, #tpu.memory_space<vmem>> -> memref<128x24xf32, #tpu.memory_space<vmem>>
      %dma_start3A_356 = arith.constant 0 : i32
      %dma_start3A_357 = tpu.memref_slice %arg8[%scan3A_310, %dma_start3A_356] : memref<79x128xi32, #tpu.memory_space<vmem>> -> memref<1x128xi32, #tpu.memory_space<vmem>>
      %dma_start3A_358 = tpu.memref_squeeze %dma_start3A_357 : memref<1x128xi32, #tpu.memory_space<vmem>> -> memref<128xi32, #tpu.memory_space<vmem>>
      %dma_start3A_359 = arith.constant 0 : i32
      %dma_start3A_360 = arith.constant 0 : i32
      %dma_start3A_361 = tpu.memref_slice %arg10[%dma_start3A_359, %dma_start3A_360] : memref<10128x24xf32, #tpu.memory_space<vmem_shared>> -> memref<10128x24xf32, #tpu.memory_space<vmem_shared>>
      tpu.enqueue_indirect_dma source(%dma_start3A_355 : memref<128x24xf32, #tpu.memory_space<vmem>>) target(%dma_start3A_361 : memref<10128x24xf32, #tpu.memory_space<vmem_shared>>) offsets(%dma_start3A_358 : memref<128xi32, #tpu.memory_space<vmem>>) semaphore(%arg12 : memref<!tpu.dma_semaphore, #tpu.memory_space<semaphore_mem>>) {add = true}
      %add3A_362 = arith.constant 12 : i32
      %add3A_363 = arith.addi %scan3A_310, %add3A_362 : i32
      %lt3A_364 = arith.constant 79 : i32
      %lt3A_365 = arith.cmpi slt, %add3A_363, %lt3A_364 : i32
      %convert_element_type3A_366 = arith.extui %lt3A_365 : i1 to i32
      %cond3A_367 = arith.constant 0 : i32
      %cond3A_368 = arith.cmpi ne, %convert_element_type3A_366, %cond3A_367 : i32
      scf.if %cond3A_368 {
        %jit3A_369 = arith.constant 24 : i32
        %eq3A_370 = arith.constant 0 : i32
        %eq3A_371 = arith.cmpi eq, %jit3A_369, %eq3A_370 : i32
        %jit3A_372 = arith.constant 1 : i32
        %select_n3A_373 = arith.select %eq3A_371, %jit3A_372, %jit3A_369 : i32
        %rem3A_374 = arith.remsi %add3A_363, %select_n3A_373 : i32
        %ne3A_375 = arith.constant 0 : i32
        %ne3A_376 = arith.cmpi ne, %rem3A_374, %ne3A_375 : i32
        %lt3A_377 = arith.constant 0 : i32
        %lt3A_378 = arith.cmpi slt, %rem3A_374, %lt3A_377 : i32
        %lt3A_379 = arith.constant 0 : i32
        %lt3A_380 = arith.cmpi slt, %select_n3A_373, %lt3A_379 : i32
        %ne3A_381 = arith.xori %lt3A_378, %lt3A_380 : i1
        %and3A_382 = arith.andi %ne3A_381, %ne3A_376 : i1
        %add3A_383 = arith.addi %rem3A_374, %select_n3A_373 : i32
        %select_n3A_384 = arith.select %and3A_382, %add3A_383, %rem3A_374 : i32
        %dma_start3A_385 = arith.constant 0 : i32
        %dma_start3A_386 = arith.constant 0 : i32
        %dma_start3A_387 = tpu.memref_slice %arg9[%select_n3A_384, %dma_start3A_385, %dma_start3A_386] : memref<24x128x24xf32, #tpu.memory_space<vmem>> -> memref<1x128x24xf32, #tpu.memory_space<vmem>>
        %dma_start3A_388 = tpu.memref_squeeze %dma_start3A_387 : memref<1x128x24xf32, #tpu.memory_space<vmem>> -> memref<128x24xf32, #tpu.memory_space<vmem>>
        %dma_start3A_389 = arith.constant 0 : i32
        %dma_start3A_390 = tpu.memref_slice %arg7[%add3A_363, %dma_start3A_389] : memref<79x128xi32, #tpu.memory_space<vmem>> -> memref<1x128xi32, #tpu.memory_space<vmem>>
        %dma_start3A_391 = tpu.memref_squeeze %dma_start3A_390 : memref<1x128xi32, #tpu.memory_space<vmem>> -> memref<128xi32, #tpu.memory_space<vmem>>
        %dma_start3A_392 = arith.constant 0 : i32
        %dma_start3A_393 = arith.constant 0 : i32
        %dma_start3A_394 = tpu.memref_slice %arg4[%dma_start3A_392, %dma_start3A_393] : memref<10128x24xf32, #tpu.memory_space<hbm>> -> memref<10128x24xf32, #tpu.memory_space<hbm>>
        tpu.enqueue_indirect_dma source(%dma_start3A_394 : memref<10128x24xf32, #tpu.memory_space<hbm>>) target(%dma_start3A_388 : memref<128x24xf32, #tpu.memory_space<vmem>>) offsets(%dma_start3A_391 : memref<128xi32, #tpu.memory_space<vmem>>) semaphore(%arg11 : memref<!tpu.dma_semaphore, #tpu.memory_space<semaphore_mem>>)
      } else {
      }
    }
    %scan3A_160 = arith.constant 79 : i32
    %dma_wait3A = arith.constant 0 : i32
    %dma_wait3A_161 = arith.constant 0 : i32
    %dma_wait3A_162 = arith.constant 0 : i32
    %dma_wait3A_163 = arith.constant 0 : i32
    %dma_wait3A_164 = tpu.memref_slice %arg9[%dma_wait3A, %dma_wait3A_162, %dma_wait3A_163] : memref<24x128x24xf32, #tpu.memory_space<vmem>> -> memref<1x128x24xf32, #tpu.memory_space<vmem>>
    %dma_wait3A_165 = tpu.memref_squeeze %dma_wait3A_164 : memref<1x128x24xf32, #tpu.memory_space<vmem>> -> memref<128x24xf32, #tpu.memory_space<vmem>>
    %dma_wait3A_166 = arith.constant 0 : i32
    %dma_wait3A_167 = tpu.memref_slice %arg8[%dma_wait3A_161, %dma_wait3A_166] : memref<79x128xi32, #tpu.memory_space<vmem>> -> memref<1x128xi32, #tpu.memory_space<vmem>>
    %dma_wait3A_168 = tpu.memref_squeeze %dma_wait3A_167 : memref<1x128xi32, #tpu.memory_space<vmem>> -> memref<128xi32, #tpu.memory_space<vmem>>
    %dma_wait3A_169 = arith.constant 0 : i32
    %dma_wait3A_170 = arith.constant 0 : i32
    %dma_wait3A_171 = tpu.memref_slice %arg10[%dma_wait3A_169, %dma_wait3A_170] : memref<10128x24xf32, #tpu.memory_space<vmem_shared>> -> memref<10128x24xf32, #tpu.memory_space<vmem_shared>>
    tpu.wait_indirect_dma semaphore(%arg12 : memref<!tpu.dma_semaphore, #tpu.memory_space<semaphore_mem>>) src(%dma_wait3A_165 : memref<128x24xf32, #tpu.memory_space<vmem>>) dst(%dma_wait3A_171 : memref<10128x24xf32, #tpu.memory_space<vmem_shared>>)
    %dma_wait3A_172 = arith.constant 0 : i32
    %dma_wait3A_173 = arith.constant 0 : i32
    %dma_wait3A_174 = arith.constant 0 : i32
    %dma_wait3A_175 = arith.constant 0 : i32
    %dma_wait3A_176 = tpu.memref_slice %arg9[%dma_wait3A_172, %dma_wait3A_174, %dma_wait3A_175] : memref<24x128x24xf32, #tpu.memory_space<vmem>> -> memref<1x128x24xf32, #tpu.memory_space<vmem>>
    %dma_wait3A_177 = tpu.memref_squeeze %dma_wait3A_176 : memref<1x128x24xf32, #tpu.memory_space<vmem>> -> memref<128x24xf32, #tpu.memory_space<vmem>>
    %dma_wait3A_178 = arith.constant 0 : i32
    %dma_wait3A_179 = tpu.memref_slice %arg8[%dma_wait3A_173, %dma_wait3A_178] : memref<79x128xi32, #tpu.memory_space<vmem>> -> memref<1x128xi32, #tpu.memory_space<vmem>>
    %dma_wait3A_180 = tpu.memref_squeeze %dma_wait3A_179 : memref<1x128xi32, #tpu.memory_space<vmem>> -> memref<128xi32, #tpu.memory_space<vmem>>
    %dma_wait3A_181 = arith.constant 0 : i32
    %dma_wait3A_182 = arith.constant 0 : i32
    %dma_wait3A_183 = tpu.memref_slice %arg10[%dma_wait3A_181, %dma_wait3A_182] : memref<10128x24xf32, #tpu.memory_space<vmem_shared>> -> memref<10128x24xf32, #tpu.memory_space<vmem_shared>>
    tpu.wait_indirect_dma semaphore(%arg12 : memref<!tpu.dma_semaphore, #tpu.memory_space<semaphore_mem>>) src(%dma_wait3A_177 : memref<128x24xf32, #tpu.memory_space<vmem>>) dst(%dma_wait3A_183 : memref<10128x24xf32, #tpu.memory_space<vmem_shared>>)
    %dma_wait3A_184 = arith.constant 0 : i32
    %dma_wait3A_185 = arith.constant 0 : i32
    %dma_wait3A_186 = arith.constant 0 : i32
    %dma_wait3A_187 = arith.constant 0 : i32
    %dma_wait3A_188 = tpu.memref_slice %arg9[%dma_wait3A_184, %dma_wait3A_186, %dma_wait3A_187] : memref<24x128x24xf32, #tpu.memory_space<vmem>> -> memref<1x128x24xf32, #tpu.memory_space<vmem>>
    %dma_wait3A_189 = tpu.memref_squeeze %dma_wait3A_188 : memref<1x128x24xf32, #tpu.memory_space<vmem>> -> memref<128x24xf32, #tpu.memory_space<vmem>>
    %dma_wait3A_190 = arith.constant 0 : i32
    %dma_wait3A_191 = tpu.memref_slice %arg8[%dma_wait3A_185, %dma_wait3A_190] : memref<79x128xi32, #tpu.memory_space<vmem>> -> memref<1x128xi32, #tpu.memory_space<vmem>>
    %dma_wait3A_192 = tpu.memref_squeeze %dma_wait3A_191 : memref<1x128xi32, #tpu.memory_space<vmem>> -> memref<128xi32, #tpu.memory_space<vmem>>
    %dma_wait3A_193 = arith.constant 0 : i32
    %dma_wait3A_194 = arith.constant 0 : i32
    %dma_wait3A_195 = tpu.memref_slice %arg10[%dma_wait3A_193, %dma_wait3A_194] : memref<10128x24xf32, #tpu.memory_space<vmem_shared>> -> memref<10128x24xf32, #tpu.memory_space<vmem_shared>>
    tpu.wait_indirect_dma semaphore(%arg12 : memref<!tpu.dma_semaphore, #tpu.memory_space<semaphore_mem>>) src(%dma_wait3A_189 : memref<128x24xf32, #tpu.memory_space<vmem>>) dst(%dma_wait3A_195 : memref<10128x24xf32, #tpu.memory_space<vmem_shared>>)
    %dma_wait3A_196 = arith.constant 0 : i32
    %dma_wait3A_197 = arith.constant 0 : i32
    %dma_wait3A_198 = arith.constant 0 : i32
    %dma_wait3A_199 = arith.constant 0 : i32
    %dma_wait3A_200 = tpu.memref_slice %arg9[%dma_wait3A_196, %dma_wait3A_198, %dma_wait3A_199] : memref<24x128x24xf32, #tpu.memory_space<vmem>> -> memref<1x128x24xf32, #tpu.memory_space<vmem>>
    %dma_wait3A_201 = tpu.memref_squeeze %dma_wait3A_200 : memref<1x128x24xf32, #tpu.memory_space<vmem>> -> memref<128x24xf32, #tpu.memory_space<vmem>>
    %dma_wait3A_202 = arith.constant 0 : i32
    %dma_wait3A_203 = tpu.memref_slice %arg8[%dma_wait3A_197, %dma_wait3A_202] : memref<79x128xi32, #tpu.memory_space<vmem>> -> memref<1x128xi32, #tpu.memory_space<vmem>>
    %dma_wait3A_204 = tpu.memref_squeeze %dma_wait3A_203 : memref<1x128xi32, #tpu.memory_space<vmem>> -> memref<128xi32, #tpu.memory_space<vmem>>
    %dma_wait3A_205 = arith.constant 0 : i32
    %dma_wait3A_206 = arith.constant 0 : i32
    %dma_wait3A_207 = tpu.memref_slice %arg10[%dma_wait3A_205, %dma_wait3A_206] : memref<10128x24xf32, #tpu.memory_space<vmem_shared>> -> memref<10128x24xf32, #tpu.memory_space<vmem_shared>>
    tpu.wait_indirect_dma semaphore(%arg12 : memref<!tpu.dma_semaphore, #tpu.memory_space<semaphore_mem>>) src(%dma_wait3A_201 : memref<128x24xf32, #tpu.memory_space<vmem>>) dst(%dma_wait3A_207 : memref<10128x24xf32, #tpu.memory_space<vmem_shared>>)
    %dma_wait3A_208 = arith.constant 0 : i32
    %dma_wait3A_209 = arith.constant 0 : i32
    %dma_wait3A_210 = arith.constant 0 : i32
    %dma_wait3A_211 = arith.constant 0 : i32
    %dma_wait3A_212 = tpu.memref_slice %arg9[%dma_wait3A_208, %dma_wait3A_210, %dma_wait3A_211] : memref<24x128x24xf32, #tpu.memory_space<vmem>> -> memref<1x128x24xf32, #tpu.memory_space<vmem>>
    %dma_wait3A_213 = tpu.memref_squeeze %dma_wait3A_212 : memref<1x128x24xf32, #tpu.memory_space<vmem>> -> memref<128x24xf32, #tpu.memory_space<vmem>>
    %dma_wait3A_214 = arith.constant 0 : i32
    %dma_wait3A_215 = tpu.memref_slice %arg8[%dma_wait3A_209, %dma_wait3A_214] : memref<79x128xi32, #tpu.memory_space<vmem>> -> memref<1x128xi32, #tpu.memory_space<vmem>>
    %dma_wait3A_216 = tpu.memref_squeeze %dma_wait3A_215 : memref<1x128xi32, #tpu.memory_space<vmem>> -> memref<128xi32, #tpu.memory_space<vmem>>
    %dma_wait3A_217 = arith.constant 0 : i32
    %dma_wait3A_218 = arith.constant 0 : i32
    %dma_wait3A_219 = tpu.memref_slice %arg10[%dma_wait3A_217, %dma_wait3A_218] : memref<10128x24xf32, #tpu.memory_space<vmem_shared>> -> memref<10128x24xf32, #tpu.memory_space<vmem_shared>>
    tpu.wait_indirect_dma semaphore(%arg12 : memref<!tpu.dma_semaphore, #tpu.memory_space<semaphore_mem>>) src(%dma_wait3A_213 : memref<128x24xf32, #tpu.memory_space<vmem>>) dst(%dma_wait3A_219 : memref<10128x24xf32, #tpu.memory_space<vmem_shared>>)
    %dma_wait3A_220 = arith.constant 0 : i32
    %dma_wait3A_221 = arith.constant 0 : i32
    %dma_wait3A_222 = arith.constant 0 : i32
    %dma_wait3A_223 = arith.constant 0 : i32
    %dma_wait3A_224 = tpu.memref_slice %arg9[%dma_wait3A_220, %dma_wait3A_222, %dma_wait3A_223] : memref<24x128x24xf32, #tpu.memory_space<vmem>> -> memref<1x128x24xf32, #tpu.memory_space<vmem>>
    %dma_wait3A_225 = tpu.memref_squeeze %dma_wait3A_224 : memref<1x128x24xf32, #tpu.memory_space<vmem>> -> memref<128x24xf32, #tpu.memory_space<vmem>>
    %dma_wait3A_226 = arith.constant 0 : i32
    %dma_wait3A_227 = tpu.memref_slice %arg8[%dma_wait3A_221, %dma_wait3A_226] : memref<79x128xi32, #tpu.memory_space<vmem>> -> memref<1x128xi32, #tpu.memory_space<vmem>>
    %dma_wait3A_228 = tpu.memref_squeeze %dma_wait3A_227 : memref<1x128xi32, #tpu.memory_space<vmem>> -> memref<128xi32, #tpu.memory_space<vmem>>
    %dma_wait3A_229 = arith.constant 0 : i32
    %dma_wait3A_230 = arith.constant 0 : i32
    %dma_wait3A_231 = tpu.memref_slice %arg10[%dma_wait3A_229, %dma_wait3A_230] : memref<10128x24xf32, #tpu.memory_space<vmem_shared>> -> memref<10128x24xf32, #tpu.memory_space<vmem_shared>>
    tpu.wait_indirect_dma semaphore(%arg12 : memref<!tpu.dma_semaphore, #tpu.memory_space<semaphore_mem>>) src(%dma_wait3A_225 : memref<128x24xf32, #tpu.memory_space<vmem>>) dst(%dma_wait3A_231 : memref<10128x24xf32, #tpu.memory_space<vmem_shared>>)
    %dma_wait3A_232 = arith.constant 0 : i32
    %dma_wait3A_233 = arith.constant 0 : i32
    %dma_wait3A_234 = arith.constant 0 : i32
    %dma_wait3A_235 = arith.constant 0 : i32
    %dma_wait3A_236 = tpu.memref_slice %arg9[%dma_wait3A_232, %dma_wait3A_234, %dma_wait3A_235] : memref<24x128x24xf32, #tpu.memory_space<vmem>> -> memref<1x128x24xf32, #tpu.memory_space<vmem>>
    %dma_wait3A_237 = tpu.memref_squeeze %dma_wait3A_236 : memref<1x128x24xf32, #tpu.memory_space<vmem>> -> memref<128x24xf32, #tpu.memory_space<vmem>>
    %dma_wait3A_238 = arith.constant 0 : i32
    %dma_wait3A_239 = tpu.memref_slice %arg8[%dma_wait3A_233, %dma_wait3A_238] : memref<79x128xi32, #tpu.memory_space<vmem>> -> memref<1x128xi32, #tpu.memory_space<vmem>>
    %dma_wait3A_240 = tpu.memref_squeeze %dma_wait3A_239 : memref<1x128xi32, #tpu.memory_space<vmem>> -> memref<128xi32, #tpu.memory_space<vmem>>
    %dma_wait3A_241 = arith.constant 0 : i32
    %dma_wait3A_242 = arith.constant 0 : i32
    %dma_wait3A_243 = tpu.memref_slice %arg10[%dma_wait3A_241, %dma_wait3A_242] : memref<10128x24xf32, #tpu.memory_space<vmem_shared>> -> memref<10128x24xf32, #tpu.memory_space<vmem_shared>>
    tpu.wait_indirect_dma semaphore(%arg12 : memref<!tpu.dma_semaphore, #tpu.memory_space<semaphore_mem>>) src(%dma_wait3A_237 : memref<128x24xf32, #tpu.memory_space<vmem>>) dst(%dma_wait3A_243 : memref<10128x24xf32, #tpu.memory_space<vmem_shared>>)
    %dma_wait3A_244 = arith.constant 0 : i32
    %dma_wait3A_245 = arith.constant 0 : i32
    %dma_wait3A_246 = arith.constant 0 : i32
    %dma_wait3A_247 = arith.constant 0 : i32
    %dma_wait3A_248 = tpu.memref_slice %arg9[%dma_wait3A_244, %dma_wait3A_246, %dma_wait3A_247] : memref<24x128x24xf32, #tpu.memory_space<vmem>> -> memref<1x128x24xf32, #tpu.memory_space<vmem>>
    %dma_wait3A_249 = tpu.memref_squeeze %dma_wait3A_248 : memref<1x128x24xf32, #tpu.memory_space<vmem>> -> memref<128x24xf32, #tpu.memory_space<vmem>>
    %dma_wait3A_250 = arith.constant 0 : i32
    %dma_wait3A_251 = tpu.memref_slice %arg8[%dma_wait3A_245, %dma_wait3A_250] : memref<79x128xi32, #tpu.memory_space<vmem>> -> memref<1x128xi32, #tpu.memory_space<vmem>>
    %dma_wait3A_252 = tpu.memref_squeeze %dma_wait3A_251 : memref<1x128xi32, #tpu.memory_space<vmem>> -> memref<128xi32, #tpu.memory_space<vmem>>
    %dma_wait3A_253 = arith.constant 0 : i32
    %dma_wait3A_254 = arith.constant 0 : i32
    %dma_wait3A_255 = tpu.memref_slice %arg10[%dma_wait3A_253, %dma_wait3A_254] : memref<10128x24xf32, #tpu.memory_space<vmem_shared>> -> memref<10128x24xf32, #tpu.memory_space<vmem_shared>>
    tpu.wait_indirect_dma semaphore(%arg12 : memref<!tpu.dma_semaphore, #tpu.memory_space<semaphore_mem>>) src(%dma_wait3A_249 : memref<128x24xf32, #tpu.memory_space<vmem>>) dst(%dma_wait3A_255 : memref<10128x24xf32, #tpu.memory_space<vmem_shared>>)
    %dma_wait3A_256 = arith.constant 0 : i32
    %dma_wait3A_257 = arith.constant 0 : i32
    %dma_wait3A_258 = arith.constant 0 : i32
    %dma_wait3A_259 = arith.constant 0 : i32
    %dma_wait3A_260 = tpu.memref_slice %arg9[%dma_wait3A_256, %dma_wait3A_258, %dma_wait3A_259] : memref<24x128x24xf32, #tpu.memory_space<vmem>> -> memref<1x128x24xf32, #tpu.memory_space<vmem>>
    %dma_wait3A_261 = tpu.memref_squeeze %dma_wait3A_260 : memref<1x128x24xf32, #tpu.memory_space<vmem>> -> memref<128x24xf32, #tpu.memory_space<vmem>>
    %dma_wait3A_262 = arith.constant 0 : i32
    %dma_wait3A_263 = tpu.memref_slice %arg8[%dma_wait3A_257, %dma_wait3A_262] : memref<79x128xi32, #tpu.memory_space<vmem>> -> memref<1x128xi32, #tpu.memory_space<vmem>>
    %dma_wait3A_264 = tpu.memref_squeeze %dma_wait3A_263 : memref<1x128xi32, #tpu.memory_space<vmem>> -> memref<128xi32, #tpu.memory_space<vmem>>
    %dma_wait3A_265 = arith.constant 0 : i32
    %dma_wait3A_266 = arith.constant 0 : i32
    %dma_wait3A_267 = tpu.memref_slice %arg10[%dma_wait3A_265, %dma_wait3A_266] : memref<10128x24xf32, #tpu.memory_space<vmem_shared>> -> memref<10128x24xf32, #tpu.memory_space<vmem_shared>>
    tpu.wait_indirect_dma semaphore(%arg12 : memref<!tpu.dma_semaphore, #tpu.memory_space<semaphore_mem>>) src(%dma_wait3A_261 : memref<128x24xf32, #tpu.memory_space<vmem>>) dst(%dma_wait3A_267 : memref<10128x24xf32, #tpu.memory_space<vmem_shared>>)
    %dma_wait3A_268 = arith.constant 0 : i32
    %dma_wait3A_269 = arith.constant 0 : i32
    %dma_wait3A_270 = arith.constant 0 : i32
    %dma_wait3A_271 = arith.constant 0 : i32
    %dma_wait3A_272 = tpu.memref_slice %arg9[%dma_wait3A_268, %dma_wait3A_270, %dma_wait3A_271] : memref<24x128x24xf32, #tpu.memory_space<vmem>> -> memref<1x128x24xf32, #tpu.memory_space<vmem>>
    %dma_wait3A_273 = tpu.memref_squeeze %dma_wait3A_272 : memref<1x128x24xf32, #tpu.memory_space<vmem>> -> memref<128x24xf32, #tpu.memory_space<vmem>>
    %dma_wait3A_274 = arith.constant 0 : i32
    %dma_wait3A_275 = tpu.memref_slice %arg8[%dma_wait3A_269, %dma_wait3A_274] : memref<79x128xi32, #tpu.memory_space<vmem>> -> memref<1x128xi32, #tpu.memory_space<vmem>>
    %dma_wait3A_276 = tpu.memref_squeeze %dma_wait3A_275 : memref<1x128xi32, #tpu.memory_space<vmem>> -> memref<128xi32, #tpu.memory_space<vmem>>
    %dma_wait3A_277 = arith.constant 0 : i32
    %dma_wait3A_278 = arith.constant 0 : i32
    %dma_wait3A_279 = tpu.memref_slice %arg10[%dma_wait3A_277, %dma_wait3A_278] : memref<10128x24xf32, #tpu.memory_space<vmem_shared>> -> memref<10128x24xf32, #tpu.memory_space<vmem_shared>>
    tpu.wait_indirect_dma semaphore(%arg12 : memref<!tpu.dma_semaphore, #tpu.memory_space<semaphore_mem>>) src(%dma_wait3A_273 : memref<128x24xf32, #tpu.memory_space<vmem>>) dst(%dma_wait3A_279 : memref<10128x24xf32, #tpu.memory_space<vmem_shared>>)
    %dma_wait3A_280 = arith.constant 0 : i32
    %dma_wait3A_281 = arith.constant 0 : i32
    %dma_wait3A_282 = arith.constant 0 : i32
    %dma_wait3A_283 = arith.constant 0 : i32
    %dma_wait3A_284 = tpu.memref_slice %arg9[%dma_wait3A_280, %dma_wait3A_282, %dma_wait3A_283] : memref<24x128x24xf32, #tpu.memory_space<vmem>> -> memref<1x128x24xf32, #tpu.memory_space<vmem>>
    %dma_wait3A_285 = tpu.memref_squeeze %dma_wait3A_284 : memref<1x128x24xf32, #tpu.memory_space<vmem>> -> memref<128x24xf32, #tpu.memory_space<vmem>>
    %dma_wait3A_286 = arith.constant 0 : i32
    %dma_wait3A_287 = tpu.memref_slice %arg8[%dma_wait3A_281, %dma_wait3A_286] : memref<79x128xi32, #tpu.memory_space<vmem>> -> memref<1x128xi32, #tpu.memory_space<vmem>>
    %dma_wait3A_288 = tpu.memref_squeeze %dma_wait3A_287 : memref<1x128xi32, #tpu.memory_space<vmem>> -> memref<128xi32, #tpu.memory_space<vmem>>
    %dma_wait3A_289 = arith.constant 0 : i32
    %dma_wait3A_290 = arith.constant 0 : i32
    %dma_wait3A_291 = tpu.memref_slice %arg10[%dma_wait3A_289, %dma_wait3A_290] : memref<10128x24xf32, #tpu.memory_space<vmem_shared>> -> memref<10128x24xf32, #tpu.memory_space<vmem_shared>>
    tpu.wait_indirect_dma semaphore(%arg12 : memref<!tpu.dma_semaphore, #tpu.memory_space<semaphore_mem>>) src(%dma_wait3A_285 : memref<128x24xf32, #tpu.memory_space<vmem>>) dst(%dma_wait3A_291 : memref<10128x24xf32, #tpu.memory_space<vmem_shared>>)
    %dma_wait3A_292 = arith.constant 0 : i32
    %dma_wait3A_293 = arith.constant 0 : i32
    %dma_wait3A_294 = arith.constant 0 : i32
    %dma_wait3A_295 = arith.constant 0 : i32
    %dma_wait3A_296 = tpu.memref_slice %arg9[%dma_wait3A_292, %dma_wait3A_294, %dma_wait3A_295] : memref<24x128x24xf32, #tpu.memory_space<vmem>> -> memref<1x128x24xf32, #tpu.memory_space<vmem>>
    %dma_wait3A_297 = tpu.memref_squeeze %dma_wait3A_296 : memref<1x128x24xf32, #tpu.memory_space<vmem>> -> memref<128x24xf32, #tpu.memory_space<vmem>>
    %dma_wait3A_298 = arith.constant 0 : i32
    %dma_wait3A_299 = tpu.memref_slice %arg8[%dma_wait3A_293, %dma_wait3A_298] : memref<79x128xi32, #tpu.memory_space<vmem>> -> memref<1x128xi32, #tpu.memory_space<vmem>>
    %dma_wait3A_300 = tpu.memref_squeeze %dma_wait3A_299 : memref<1x128xi32, #tpu.memory_space<vmem>> -> memref<128xi32, #tpu.memory_space<vmem>>
    %dma_wait3A_301 = arith.constant 0 : i32
    %dma_wait3A_302 = arith.constant 0 : i32
    %dma_wait3A_303 = tpu.memref_slice %arg10[%dma_wait3A_301, %dma_wait3A_302] : memref<10128x24xf32, #tpu.memory_space<vmem_shared>> -> memref<10128x24xf32, #tpu.memory_space<vmem_shared>>
    tpu.wait_indirect_dma semaphore(%arg12 : memref<!tpu.dma_semaphore, #tpu.memory_space<semaphore_mem>>) src(%dma_wait3A_297 : memref<128x24xf32, #tpu.memory_space<vmem>>) dst(%dma_wait3A_303 : memref<10128x24xf32, #tpu.memory_space<vmem_shared>>)
    %barrier3A_304 = arith.constant 0 : index
    tpu.barrier barrier_id(%barrier3A_304)
    %eq3A_305 = arith.constant 0 : i32
    %eq3A_306 = arith.cmpi eq, %arg1, %eq3A_305 : i32
    %convert_element_type3A_307 = arith.extui %eq3A_306 : i1 to i32
    %cond3A_308 = arith.constant 0 : i32
    %cond3A_309 = arith.cmpi ne, %convert_element_type3A_307, %cond3A_308 : i32
    scf.if %cond3A_309 {
      "tpu.region"() ({
        %run_scoped3A = tpu.sem_alloc : memref<!tpu.dma_semaphore, #tpu.memory_space<semaphore_mem>>
        %dma_start3A_310 = arith.constant 0 : i32
        %dma_start3A_311 = arith.constant 0 : i32
        %dma_start3A_312 = tpu.memref_slice %arg6[%arg0, %dma_start3A_310, %dma_start3A_311] : memref<2x10128x24xf32, #tpu.memory_space<hbm>> -> memref<1x10128x24xf32, #tpu.memory_space<hbm>>
        %dma_start3A_313 = tpu.memref_squeeze %dma_start3A_312 : memref<1x10128x24xf32, #tpu.memory_space<hbm>> -> memref<10128x24xf32, #tpu.memory_space<hbm>>
        tpu.enqueue_dma source(%arg10 : memref<10128x24xf32, #tpu.memory_space<vmem_shared>>) target(%dma_start3A_313 : memref<10128x24xf32, #tpu.memory_space<hbm>>) target_semaphore(%run_scoped3A : memref<!tpu.dma_semaphore, #tpu.memory_space<semaphore_mem>>)
        %dma_wait3A_314 = arith.constant 0 : i32
        %dma_wait3A_315 = arith.constant 0 : i32
        %dma_wait3A_316 = tpu.memref_slice %arg6[%arg0, %dma_wait3A_314, %dma_wait3A_315] : memref<2x10128x24xf32, #tpu.memory_space<hbm>> -> memref<1x10128x24xf32, #tpu.memory_space<hbm>>
        %dma_wait3A_317 = tpu.memref_squeeze %dma_wait3A_316 : memref<1x10128x24xf32, #tpu.memory_space<hbm>> -> memref<10128x24xf32, #tpu.memory_space<hbm>>
        tpu.wait_dma2 semaphore(%run_scoped3A : memref<!tpu.dma_semaphore, #tpu.memory_space<semaphore_mem>>) src(%arg10 : memref<10128x24xf32, #tpu.memory_space<vmem_shared>>) dst(%dma_wait3A_317 : memref<10128x24xf32, #tpu.memory_space<hbm>>)
        tpu.yield
      }) : () -> ()
    } else {
    }
    return
  }
}

module attributes {stable_mosaic.version = 14 : i64} {
  func.func @_prep_body(%arg0: memref<10000x128xf32, #tpu.memory_space<vmem>>, %arg1: memref<128x24xf32, #tpu.memory_space<vmem>>, %arg2: memref<2x10128xf32, #tpu.memory_space<vmem>>, %arg3: memref<10128x24xf32, #tpu.memory_space<vmem>>) attributes {dimension_semantics = [], scalar_prefetch = 0 : i64, scratch_operands = 0 : i64, tpu.core_type = #tpu.core_type<tc>} {
    %get3A = arith.constant 0 : index
    %get3A_0 = arith.constant 0 : index
    %get3A_1 = vector.load %arg2[%get3A, %get3A_0] : memref<2x10128xf32, #tpu.memory_space<vmem>>, vector<1x10000xf32>
    %get3A_2 = vector.shape_cast %get3A_1 : vector<1x10000xf32> to vector<10000xf32>
    %get3A_3 = arith.constant 1 : index
    %get3A_4 = arith.constant 0 : index
    %get3A_5 = vector.load %arg2[%get3A_3, %get3A_4] : memref<2x10128xf32, #tpu.memory_space<vmem>>, vector<1x10000xf32>
    %get3A_6 = vector.shape_cast %get3A_5 : vector<1x10000xf32> to vector<10000xf32>
    %add3A = arith.addf %get3A_2, %get3A_6 : vector<10000xf32>
    %add3A_7 = arith.constant 1.000000e+00 : f32
    %add3A_8 = vector.broadcast %add3A_7 : f32 to vector<10000xf32>
    %add3A_9 = arith.addf %add3A, %add3A_8 : vector<10000xf32>
    %rsqrt3A = math.rsqrt %add3A_9 : vector<10000xf32>
    %broadcast_in_dim3A = vector.shape_cast %rsqrt3A : vector<10000xf32> to vector<10000x1xf32>
    %get3A_10 = arith.constant 0 : index
    %get3A_11 = arith.constant 0 : index
    %get3A_12 = vector.load %arg0[%get3A_10, %get3A_11] : memref<10000x128xf32, #tpu.memory_space<vmem>>, vector<10000x128xf32>
    %get3A_13 = arith.constant 0 : index
    %get3A_14 = arith.constant 0 : index
    %get3A_15 = vector.load %arg1[%get3A_13, %get3A_14] : memref<128x24xf32, #tpu.memory_space<vmem>>, vector<128x24xf32>
    %dot_general3A = arith.constant dense<0.000000e+00> : vector<10000x24xf32>
    %dot_general3A_16 = tpu.matmul %get3A_12, %get3A_15, %dot_general3A {dimension_numbers = #tpu.dot_dimension_numbers<[1], [0], [0], [1], [0, 0, 1, 1], [], []>, transpose_lhs_hint = false} : vector<10000x128xf32>, vector<128x24xf32>, vector<10000x24xf32> -> vector<10000x24xf32>
    %mul3A = vector.broadcast %broadcast_in_dim3A : vector<10000x1xf32> to vector<10000x24xf32>
    %mul3A_17 = arith.mulf %dot_general3A_16, %mul3A : vector<10000x24xf32>
    %swap3A = arith.constant 0 : index
    %swap3A_18 = arith.constant 0 : index
    %swap3A_19 = vector.load %arg3[%swap3A, %swap3A_18] : memref<10128x24xf32, #tpu.memory_space<vmem>>, vector<10000x24xf32>
    tpu.vector_store %arg3[%swap3A, %swap3A_18], %mul3A_17 {strides = array<i32>} : memref<10128x24xf32, #tpu.memory_space<vmem>>, vector<10000x24xf32>,
    %broadcast_in_dim3A_20 = arith.constant 0.000000e+00 : f32
    %broadcast_in_dim3A_21 = vector.broadcast %broadcast_in_dim3A_20 : f32 to vector<128x24xf32>
    %swap3A_22 = arith.constant 10000 : index
    %swap3A_23 = arith.constant 0 : index
    %swap3A_24 = vector.load %arg3[%swap3A_22, %swap3A_23] : memref<10128x24xf32, #tpu.memory_space<vmem>>, vector<128x24xf32>
    tpu.vector_store %arg3[%swap3A_22, %swap3A_23], %broadcast_in_dim3A_21 {strides = array<i32>} : memref<10128x24xf32, #tpu.memory_space<vmem>>, vector<128x24xf32>,
    return
  }
}

module attributes {stable_mosaic.version = 14 : i64} {
  func.func @_fin_body(%arg0: memref<2x10128x24xf32, #tpu.memory_space<vmem>>, %arg1: memref<2x10128xf32, #tpu.memory_space<vmem>>, %arg2: memref<1x20xf32, #tpu.memory_space<vmem>>, %arg3: memref<40x10xf32, #tpu.memory_space<vmem>>, %arg4: memref<1x10xf32, #tpu.memory_space<vmem>>, %arg5: memref<1x10xf32, #tpu.memory_space<vmem>>) attributes {dimension_semantics = [], scalar_prefetch = 0 : i64, scratch_operands = 0 : i64, tpu.core_type = #tpu.core_type<tc>} {
    %get3A = arith.constant 0 : index
    %get3A_0 = arith.constant 0 : index
    %get3A_1 = vector.load %arg1[%get3A, %get3A_0] : memref<2x10128xf32, #tpu.memory_space<vmem>>, vector<1x10000xf32>
    %get3A_2 = vector.shape_cast %get3A_1 : vector<1x10000xf32> to vector<10000xf32>
    %get3A_3 = arith.constant 1 : index
    %get3A_4 = arith.constant 0 : index
    %get3A_5 = vector.load %arg1[%get3A_3, %get3A_4] : memref<2x10128xf32, #tpu.memory_space<vmem>>, vector<1x10000xf32>
    %get3A_6 = vector.shape_cast %get3A_5 : vector<1x10000xf32> to vector<10000xf32>
    %add3A = arith.addf %get3A_2, %get3A_6 : vector<10000xf32>
    %add3A_7 = arith.constant 1.000000e+00 : f32
    %add3A_8 = vector.broadcast %add3A_7 : f32 to vector<10000xf32>
    %add3A_9 = arith.addf %add3A, %add3A_8 : vector<10000xf32>
    %rsqrt3A = math.rsqrt %add3A_9 : vector<10000xf32>
    %broadcast_in_dim3A = vector.shape_cast %rsqrt3A : vector<10000xf32> to vector<10000x1xf32>
    %get3A_10 = arith.constant 0 : index
    %get3A_11 = arith.constant 0 : index
    %get3A_12 = arith.constant 0 : index
    %get3A_13 = vector.load %arg0[%get3A_10, %get3A_11, %get3A_12] : memref<2x10128x24xf32, #tpu.memory_space<vmem>>, vector<1x10000x20xf32>
    %get3A_14 = vector.shape_cast %get3A_13 : vector<1x10000x20xf32> to vector<10000x20xf32>
    %get3A_15 = arith.constant 1 : index
    %get3A_16 = arith.constant 0 : index
    %get3A_17 = arith.constant 0 : index
    %get3A_18 = vector.load %arg0[%get3A_15, %get3A_16, %get3A_17] : memref<2x10128x24xf32, #tpu.memory_space<vmem>>, vector<1x10000x20xf32>
    %get3A_19 = vector.shape_cast %get3A_18 : vector<1x10000x20xf32> to vector<10000x20xf32>
    %add3A_20 = arith.addf %get3A_14, %get3A_19 : vector<10000x20xf32>
    %mul3A = vector.broadcast %broadcast_in_dim3A : vector<10000x1xf32> to vector<10000x20xf32>
    %mul3A_21 = arith.mulf %add3A_20, %mul3A : vector<10000x20xf32>
    %get3A_22 = arith.constant 0 : index
    %get3A_23 = arith.constant 0 : index
    %get3A_24 = vector.load %arg2[%get3A_22, %get3A_23] : memref<1x20xf32, #tpu.memory_space<vmem>>, vector<1x20xf32>
    %add3A_25 = vector.broadcast %get3A_24 : vector<1x20xf32> to vector<10000x20xf32>
    %add3A_26 = arith.addf %mul3A_21, %add3A_25 : vector<10000x20xf32>
    %mul3A_27 = arith.mulf %add3A_26, %add3A_26 : vector<10000x20xf32>
    %reduce_sum3A = arith.constant dense<0.000000e+00> : vector<10000xf32>
    %reduce_sum3A_28 = vector.multi_reduction <add>, %mul3A_27, %reduce_sum3A [1] : vector<10000x20xf32> to vector<10000xf32>
    %broadcast_in_dim3A_29 = vector.shape_cast %reduce_sum3A_28 : vector<10000xf32> to vector<10000x1xf32>
    %sqrt3A = math.sqrt %broadcast_in_dim3A_29 : vector<10000x1xf32>
    %max3A = arith.constant 9.99999996E-13 : f32
    %max3A_30 = vector.broadcast %max3A : f32 to vector<10000x1xf32>
    %max3A_31 = arith.maximumf %sqrt3A, %max3A_30 : vector<10000x1xf32>
    %div3A = vector.broadcast %max3A_31 : vector<10000x1xf32> to vector<10000x20xf32>
    %div3A_32 = arith.divf %add3A_26, %div3A : vector<10000x20xf32>
    %max3A_33 = arith.constant 0.000000e+00 : f32
    %max3A_34 = vector.broadcast %max3A_33 : f32 to vector<10000x20xf32>
    %max3A_35 = arith.maximumf %div3A_32, %max3A_34 : vector<10000x20xf32>
    %reduce_max3A = arith.constant dense<0xFF800000> : vector<20xf32>
    %reduce_max3A_36 = vector.multi_reduction <maximumf>, %max3A_35, %reduce_max3A [0] : vector<10000x20xf32> to vector<20xf32>
    %broadcast_in_dim3A_37 = vector.shape_cast %reduce_max3A_36 : vector<20xf32> to vector<1x20xf32>
    %reduce_sum3A_38 = arith.constant dense<0.000000e+00> : vector<20xf32>
    %reduce_sum3A_39 = vector.multi_reduction <add>, %max3A_35, %reduce_sum3A_38 [0] : vector<10000x20xf32> to vector<20xf32>
    %broadcast_in_dim3A_40 = vector.shape_cast %reduce_sum3A_39 : vector<20xf32> to vector<1x20xf32>
    %mul3A_41 = arith.constant 9.99999974E-5 : f32
    %mul3A_42 = vector.broadcast %mul3A_41 : f32 to vector<1x20xf32>
    %mul3A_43 = arith.mulf %broadcast_in_dim3A_40, %mul3A_42 : vector<1x20xf32>
    %concatenate3A = tpu.concatenate %broadcast_in_dim3A_37, %mul3A_43 in 1 : vector<1x20xf32>, vector<1x20xf32> -> vector<1x40xf32>
    %get3A_44 = arith.constant 0 : index
    %get3A_45 = arith.constant 0 : index
    %get3A_46 = vector.load %arg3[%get3A_44, %get3A_45] : memref<40x10xf32, #tpu.memory_space<vmem>>, vector<40x10xf32>
    %dot_general3A = arith.constant dense<0.000000e+00> : vector<1x10xf32>
    %dot_general3A_47 = tpu.matmul %concatenate3A, %get3A_46, %dot_general3A {dimension_numbers = #tpu.dot_dimension_numbers<[1], [0], [0], [1], [0, 0, 1, 1], [], []>, transpose_lhs_hint = false} : vector<1x40xf32>, vector<40x10xf32>, vector<1x10xf32> -> vector<1x10xf32>
    %get3A_48 = arith.constant 0 : index
    %get3A_49 = arith.constant 0 : index
    %get3A_50 = vector.load %arg4[%get3A_48, %get3A_49] : memref<1x10xf32, #tpu.memory_space<vmem>>, vector<1x10xf32>
    %add3A_51 = arith.addf %dot_general3A_47, %get3A_50 : vector<1x10xf32>
    %swap3A = arith.constant 0 : index
    %swap3A_52 = arith.constant 0 : index
    %swap3A_53 = vector.load %arg5[%swap3A, %swap3A_52] : memref<1x10xf32, #tpu.memory_space<vmem>>, vector<1x10xf32>
    tpu.vector_store %arg5[%swap3A, %swap3A_52], %add3A_51 {strides = array<i32>} : memref<1x10xf32, #tpu.memory_space<vmem>>, vector<1x10xf32>,
    return
  }
}

</mosaic_0001>

<sc_bundles>
// kernel: kernel.6.cloned.1.call-start
scs
__scs_entry_jumppad:
0x0: {  	(pc) =	sbr.rel $0x88, $3  }
0x1: {  	(tag) =	ssettag $0x0;
	lr =	simm.s32 $0x1  }
0x2: {  	[smem:$0x3F9B] =	sst lr;
	_ =	strace $0xD0000000  }
0x3: {  	_ = 	snop  }
0x4: {  	_ = 	snop  }
0x5: {  	_ = 	snop  }
0x6: {  	_ = 	snop  }
0x7: {  	_ = 	snop  }
__scs_overlays_trampoline_lowered:
0x8: {  	[smem:$0x3FAA] =	sst s0  }
0x9: {  	[smem:$0x3FAB] =	sst s1  }
0xa: {  	[smem:$0x3FAC] =	sst s2  }
0xb: {  	[smem:$0x3FAD] =	sst s3  }
0xc: {  	[smem:$0x3FAE] =	sst s4  }
0xd: {  	[smem:$0x3FAF] =	sst s5  }
0xe: {  	[smem:$0x3FB0] =	sst s6  }
0xf: {  	[smem:$0x3FB1] =	sst s7  }
0x10: {  	[smem:$0x3FB2] =	sst s8  }
0x11: {  	[smem:$0x3FB3] =	sst s9;
	s0 =	simm.s32 @!p0 $0x0  }
0x12: {  	s1 =	sld [smem:$0x3F99];
	s0 =	simm.s32 @p0 $0x1  }
0x13: {  	[smem:$0x3FB4] =	sst s0;
	s0 =	simm.s32 @!p1 $0x0  }
0x14: {  	s2 =	sld [smem:$0x3F98];
	s0 =	simm.s32 @p1 $0x1  }
0x15: {  	[smem:$0x3FB5] =	sst s0;
	s0 =	simm.s32 @!p2 $0x0  }
0x16: {  	s3 =	sld [smem:$0x3FDB];
	s0 =	simm.s32 @p2 $0x1  }
0x17: {  	s4 =	simm.s32 $0x1BF5;
	[smem:$0x3FB7] =	sst s0  }
0x18: {  	s0 =	sld [smem:$0x3F9A];
	_ =	swait.ge [sflag:s4], $0x0  }
0x19: {  	s7 =	sld [smem:$0x3F9B]  }
0x1a: {  	s8 =	sadd.s32 $0xFFFFE003, lr  }
0x1b: {  	s9 =	sadd.s32 $0xFFFFFEF7, lr;
	s5 =	simm.s32 $0xFFFFFFFF;
	p2 =	slt.u32 s8, $0xFFFFF086  }
0x1c: {  	p1 =	slt.u32 s9, $0xF7A;
	s5 =	simm.s32 @!p2 $0x0  }
0x1d: {  	s5 =	simm.s32 @p1 $0x1;
	p0 =	seq.s32 s7, s2  }
0x1e: {  	s7 =	smul.u32 @!p0 $0xF7A, s2;
	p2 =	seq.s32 @!p0 s5, $0x0  }
0x1f: {  	s9 =	smul.u32 $0xF7A, s1;
	s8 =	simm.s32 @!p0 $0x1BF5;
	p2 =	por !p2, p0  }
0x20: {  	[sflag:s8] =	ssyncset.s32 @!p0 $0xFFFFF086;
	s6 =	sadd.s32 @!p0 s3, s7;
	s7 =	simm.s32 @!p0 $0x108  }
0x21: {  	s3 =	sadd.s32 s3, s9;
	s6 =	sadd.s32 @!p0 $0x88, s6;
	s7 =	simm.s32 @p2 $0x1082  }
0x22: {  	[simem:s7], [sflag:s8] =	dma.local @!p0 [hbm:s6], $0xF7A  }
0x23: {  	s9 =	sor.u32 $0xD0000000, s2;
	s6 =	simm.s32 $0x108;
	_ =	swait.ge @!p0 [sflag:s8], $0x0  }
0x24: {  	s3 =	sadd.s32 $0x88, s3;
	s6 =	simm.s32 @!p1 $0x1082;
	[sflag:s4] =	ssyncset.s32 $0xFFFFF086  }
0x25: {  	[simem:s6], [sflag:s4] =	dma.local [hbm:s3], $0xF7A  }
0x26: {  	[smem:$0x3F9B] =	sst s1;
	(tag) =	ssettag s2;
	_ =	strace s9  }
0x27: {  	s1 =	sld [smem:$0x3FAB]  }
0x28: {  	s2 =	sld [smem:$0x3FAC]  }
0x29: {  	s4 =	sld [smem:$0x3FAE]  }
0x2a: {  	p0 =	seq.s32 s5, $0x0;
	s5 =	sld [smem:$0x3FAF]  }
0x2b: {  	s6 =	sld [smem:$0x3FB0]  }
0x2c: {  	s7 =	sld [smem:$0x3FB1]  }
0x2d: {  	s3 =	simm.s32 $0x108;
	s8 =	sld [smem:$0x3FB2]  }
0x2e: {  	s3 =	simm.s32 @!p0 $0x1082;
	s9 =	sld [smem:$0x3FB3]  }
0x2f: {  	lr =	sadd.s32 s0, s3;
	s0 =	sld [smem:$0x3FAA]  }
0x30: {  	s3 =	sld [smem:$0x3FAD]  }
0x31: {  	[smem:$0x3FB6] =	sst s10  }
0x32: {  	s10 =	sld [smem:$0x3FB4];
	_ =	sdelay $0x3  }
0x33: {  	p0 =	seq.s32 s10, $0x1;
	s10 =	sld [smem:$0x3FB6];
	_ =	sdelay $0x3  }
0x34: {  	[smem:$0x3FB6] =	sst s10  }
0x35: {  	s10 =	sld [smem:$0x3FB5];
	_ =	sdelay $0x3  }
0x36: {  	p1 =	seq.s32 s10, $0x1;
	s10 =	sld [smem:$0x3FB6];
	_ =	sdelay $0x3  }
0x37: {  	[smem:$0x3FB6] =	sst s10  }
0x38: {  	s10 =	sld [smem:$0x3FB7]  }
0x39: {  	_ = 	snop;
	(pc) =	sbr.ind lr, $3  }
0x3a: {  	_ = 	snop  }
0x3b: {  	_ = 	snop  }
0x3c: {  	p2 =	seq.s32 s10, $0x1;
	s10 =	sld [smem:$0x3FB6]  }
0x3d: {  	_ =	shalt  }
0x3e: {  	_ =	shalt  }
0x3f: {  	_ =	shalt  }
0x40: {  	_ =	shalt  }
0x41: {  	_ =	shalt  }
0x42: {  	_ =	shalt  }
0x43: {  	_ =	shalt  }
0x44: {  	_ =	shalt  }
0x45: {  	_ =	shalt  }
0x46: {  	_ =	shalt  }
0x47: {  	_ =	shalt  }
0x48: {  	_ =	shalt  }
0x49: {  	_ =	shalt  }
0x4a: {  	_ =	shalt  }
0x4b: {  	_ =	shalt  }
0x4c: {  	_ =	shalt  }
0x4d: {  	_ =	shalt  }
0x4e: {  	_ =	shalt  }
0x4f: {  	_ =	shalt  }
0x50: {  	_ =	shalt  }
0x51: {  	_ =	shalt  }
0x52: {  	_ =	shalt  }
0x53: {  	_ =	shalt  }
0x54: {  	_ =	shalt  }
0x55: {  	_ =	shalt  }
0x56: {  	_ =	shalt  }
0x57: {  	_ =	shalt  }
0x58: {  	_ =	shalt  }
0x59: {  	_ =	shalt  }
0x5a: {  	_ =	shalt  }
0x5b: {  	_ =	shalt  }
0x5c: {  	_ =	shalt  }
0x5d: {  	_ =	shalt  }
0x5e: {  	_ =	shalt  }
0x5f: {  	_ =	shalt  }
0x60: {  	_ =	shalt  }
0x61: {  	_ =	shalt  }
0x62: {  	_ =	shalt  }
0x63: {  	_ =	shalt  }
0x64: {  	_ =	shalt  }
0x65: {  	_ =	shalt  }
0x66: {  	_ =	shalt  }
0x67: {  	_ =	shalt  }
0x68: {  	_ =	shalt  }
0x69: {  	_ =	shalt  }
0x6a: {  	_ =	shalt  }
0x6b: {  	_ =	shalt  }
0x6c: {  	_ =	shalt  }
0x6d: {  	_ =	shalt  }
0x6e: {  	_ =	shalt  }
0x6f: {  	_ =	shalt  }
0x70: {  	_ =	shalt  }
0x71: {  	_ =	shalt  }
0x72: {  	_ =	shalt  }
0x73: {  	_ =	shalt  }
0x74: {  	_ =	shalt  }
0x75: {  	_ =	shalt  }
0x76: {  	_ =	shalt  }
0x77: {  	_ =	shalt  }
0x78: {  	_ =	shalt  }
0x79: {  	_ =	shalt  }
0x7a: {  	_ =	shalt  }
0x7b: {  	_ =	shalt  }
0x7c: {  	_ =	shalt  }
0x7d: {  	_ =	shalt  }
0x7e: {  	_ =	shalt  }
0x7f: {  	_ =	shalt  }
0x80: {  	_ =	shalt  }
0x81: {  	_ =	shalt  }
0x82: {  	_ =	shalt  }
0x83: {  	_ =	shalt  }
0x84: {  	_ =	shalt  }
0x85: {  	_ =	shalt  }
0x86: {  	_ =	shalt  }
0x87: {  	_ =	shalt  }
.Lfunc_end0:
.L_simem_size_0:
called_computation_lowered:
.L_overlay_start_0:
0x88: {  	s2 =	sld [smem:$0x3FD9]  }
0x89: {  	s3 =	sld [smem:$0x3FFE];
	_ =	sdelay $0x1  }
0x8a: {  	s1 =	srdreg.scid  }
0x8b: {  	s0 =	sand.u32 $0x1, s1  }
0x8c: {  	s16 =	sshll.u32 s0, $0xA;
	s2 =	sadd.s32 s3, s2  }
0x8d: {  	s2 =	sadd.s32 s2, s16  }
0x8e: {  	[smem:$0x3FC2] =	sst s2  }
0x8f: {  	_ = 	snop  }
0x90: {  	(tm) =	ssettm $0x1  }
0x91: {  	s17 =	sld [smem:$0x3FFB];
	_ =	sdelay $0x3  }
0x92: {  	_ =	strace s17  }
0x93: {  	s2 =	sld [smem:$0x3FFC];
	_ =	sdelay $0x3  }
0x94: {  	_ =	strace s2  }
0x95: {  	s2 =	sld [smem:$0x3FFD];
	_ =	sdelay $0x3  }
0x96: {  	_ =	strace s2  }
0x97: {  	_ =	strace $0x8FFFFFFF  }
0x98: {  	s18 =	sld [smem:$0x3FDB];
	_ =	sdelay $0x1  }
0x99: {  	s19 =	simm.s32 $_scs_section_size  }
0x9a: {  	s4 =	simm.s32 $_size__tile_overlayer_lowered;
	s5 =	simm.s32 $_tile_overlayer_lowered  }
0x9b: {  	s22 =	simm.s32 $0x1BFF;
	s21 =	sshll.u32 s5, $0x1;
	s2 =	sadd.s32 s19, s18  }
0x9c: {  	s6 =	simm.s32 $0x0;
	s20 =	sshll.u32 s4, $0x1;
	s4 =	sadd.s32 s21, s2  }
0x9d: {  	[timem:s6], [sflag:s22] =	dma.local [hbm:s4], s20  }
0x9e: {  	_ =	swait.ge [sflag:s22], s20  }
0x9f: {  	s3 =	ssub.s32 $0x0, s20;
	[sflag:s22] =	ssyncset.done $0x0  }
0xa0: {  	[sflag:s22] =	ssyncadd.s32 s3;
	_ =	sdelay $0x1  }
0xa1: {  	s23 =	simm.s32 $0x1B8B  }
0xa2: {  	_ =	swait.ge [sflag:s23], $0x1  }
0xa3: {  	[sflag:s23] =	ssyncset.done $0x0  }
0xa4: {  	s25 =	simm.s32 $0x1B8E;
	s24 =	sld [smem:$0x3FFE];
	[sflag:s23] =	ssyncadd.s32 $0xFFFFFFFF  }
0xa5: {  	s26 =	simm.s32 $execute0_lowered;
	[smem:$0x3FD2] =	sst s25  }
0xa6: {  	s4 =	sshll.u32 s26, $0x1;
	_ =	strace $0x80000046;
	[dreg:$0x1] =	wrdreg $0xFFFFFFFF  }
0xa7: {  	s28 =	simm.s32 $_size_execute0_lowered;
	s2 =	sadd.s32 s2, s4;
	[dreg:$0x0] =	wrdreg $0x0  }
0xa8: {  	s4 =	sshll.u32 s28, $0x1;
	[dreg:$0x2] =	wrdreg s2  }
0xa9: {  	[dreg:$0x3] =	wrdreg s4  }
0xaa: {  	[dreg:$0x4] =	wrdreg $0xC0  }
0xab: {  	_ =	task [dreg:s6], $0x5FFFF  }
0xac: {  	[dreg:$0x1] =	wrdreg $0xFFFFFFFF  }
0xad: {  	[dreg:$0x0] =	wrdreg $0x60  }
0xae: {  	[dreg:$0x2] =	wrdreg s24  }
0xaf: {  	[dreg:$0x3] =	wrdreg $0x28000  }
0xb0: {  	[dreg:$0x4] =	wrdreg $0x9  }
0xb1: {  	_ =	task.clear_ibuf [dreg:s6], $0x5FFFF;
	_ =	strace $0x90000046  }
0xb2: {  	s29 =	simm.s32 $0x9;
	_ =	strace $0x80000048  }
0xb3: {  	_ =	swait.ge [sflag:s29], $0x1  }
0xb4: {  	[sflag:s29] =	ssyncadd.s32 $0xFFFFFFFF  }
0xb5: {  	_ =	strace $0x90000048  }
0xb6: {  	_ =	sfence  }
0xb7: {  	s30 =	sld [smem:$0x0];
	_ =	sdelay $0x2  }
0xb8: {  	s31 =	sshll.u32 s1, $0xD;
	s1 =	sshrl.u32 s1, $0x2  }
0xb9: {  	s3 =	sand.u32 $0x4000, s31;
	s1 =	sadd.s32 s1, s30  }
0xba: {  	s0 =	sor.u32 s3, s0;
	s1 =	sshll.u32 s1, $0x11  }
0xbb: {  	s0 =	sor.u32 s1, s0  }
0xbc: {  	s0 =	sadd.s32 $0x8F2B, s0  }
0xbd: {  	[sflag:s0] =	ssyncadd.remote.s32 $0x1  }
0xbe: {  	_ =	sfence.sel $0xFFFF  }
0xbf: {  	[dreg:$0x0] =	wrdreg $0xFFFFFFFF;
	(pc) =	sbr.abs _section_cstart, $3  }
0xc0: {  	[dreg:$0x1] =	wrdreg $0xFFFFFFFF  }
0xc1: {  	_ =	task.clear_ibuf [dreg:s6], $0x2FFFF;
	_ =	strace $0x9FFFFFFF  }
0xc2: {  	(tm) =	ssettm $0x7FFFFFFF  }
0xc3: {  	_ =	shalt  }
tec
execute0_lowered:
.L_overlay_start_1:
0x0: {  	(tag) =	ssettag $0x1  }
0x1: {  	s4 =	rddreg [dreg:$0x0];
	s0 =	srdreg.scid  }
0x2: {  	s7 =	stileid.u32;
	s1 =	rddreg [dreg:$0x1];
	s2 =	simm.s32 $0x0  }
0x3: {  	s10 =	simm.s32 $0x2780;
	s11 =	simm.s32 $0x1;
	s12 =	simm.s32 $0x0  }
0x4: {  	s3 =	sand.u32 $0x1, s0;
	s5 =	sshll.u32 s7, $0x1;
	s0 =	rddreg [dreg:$0x2]  }
0x5: {  	[smem:$0x7FF] =	sst s2;
	s5 =	sor.u32 s3, s5;
	s6 =	smul.u32 $0x4F2, s3  }
0x6: {  	p0 =	sne.s32 s7, $0x0;
	_ =	strace $0x80000047;
	s5 =	smul.u32 $0x4F0, s5  }
0x7: {  	s8 =	ssub.s32 $0x2, s3;
	s3 =	sadd.s32 $0x15200, s4;
	s7 =	sshrl.u32 @!p0 s1, $0x3  }
0x8: {  	s9 =	sshrl.u32 s8, $0x1;
	s6 =	sadd.s32 s6, s4;
	s5 =	sadd.s32 s5, s4  }
0x9: {  	s8 =	ssub.s32 s8, s9;
	s9 =	simm.s32 $0x80;
	s4 =	sadd.s32 $0xB400, s5  }
0xa: {  	v0 =	vimm.f32 $1.000000000e+00;
	s5 =	sadd.s32 $0x15800, s6;
	s6 =	smax.u32 s8, $0x1;
	s8 =	simm.s32 $0x2  }
.LBB2_1:
0xb: {  	s13 =	simm.s32 @!p0 $0x1C02  }
0xc: {  	[spmem:s7], [sflag:s13] =	dma.local @!p0 [hbm:s3], $0x4F2  }
0xd: {  	s13 =	simm.s32 @!p0 $0x2  }
0xe: {  	_ =	swait.ge @!p0 [sflag:s13], $0x4F2  }
0xf: {  	[sflag:s13] =	ssyncset.done @!p0 $0x0  }
0x10: {  	[sflag:s13] =	ssyncadd.s32 @!p0 $0xFFFFFB0E  }
0x11: {  	[tilespmem:$0x2780] =	vst v0  }
0x12: {  	[tilespmem:$0x2790] =	vst v0  }
0x13: {  	[tilespmem:$0x27A0] =	vst v0  }
0x14: {  	[tilespmem:$0x27B0] =	vst v0  }
0x15: {  	[tilespmem:$0x27C0] =	vst v0  }
0x16: {  	[tilespmem:$0x27D0] =	vst v0  }
0x17: {  	[tilespmem:$0x27E0] =	vst v0  }
0x18: {  	[tilespmem:$0x27F0] =	vst v0  }
0x19: {  	[tilespmem:s2], [sflag:$0x2] =	stream.linear.gather [hbm4b:s4+s2], $0x2780, $0x38;
	[tilespmem:$0x2A80] =	vst v63  }
0x1a: {  	_ =	swait.ge [sflag:s8], $0x2780  }
0x1b: {  	[sflag:s8] =	ssyncset.done $0x0  }
0x1c: {  	[sflag:s8] =	ssyncadd.s32 $0xFFFFD880  }
0x1d: {  	s13 =	simm.s32 $0x0;
	[bflag:$0x0] =	sbarrier.arrive $0xFFFF  }
.LBB2_2:
0x1e: {  	p1 =	sne.s32 s13, $0x9C00  }
.Ltmp0:
0x1f: {  	_ = 	snop;
	(pc) =	sbr.rel @p1 .LBB2_2-.Ltmp0, $3  }
0x20: {  	_ =	sdelay $0x1  }
0x21: {  	s14 =	sshra.s32 s13, $0x2;
	s13 =	sadd.s32 $0x200, s13  }
0x22: {  	[spmem:s1] =	stream.indirect.scatter.add.f32 [tilespmem:s10], [sflag:$0x1], $0x1, s14, s9, $0xb8;
	[tilespmem:$0x2A80] =	vst v63  }
0x23: {  	_ =	swait.ge [sflag:s11], $0x80  }
0x24: {  	s13 =	simm.s32 $0x4E;
	[sflag:s11] =	ssyncset.done $0x0  }
.LBB2_4:
0x25: {  	p1 =	sne.s32 s13, $0x1;
	s13 =	sadd.s32 $0xFFFFFFFF, s13;
	[sflag:s11] =	ssyncadd.s32 $0xFFFFFF80  }
.Ltmp1:
0x26: {  	(pc) =	sbr.rel @p1 .LBB2_4-.Ltmp1, $3  }
0x27: {  	_ =	sdelay $0x1  }
0x28: {  	_ =	swait.ge [sflag:s11], $0x80  }
0x29: {  	[sflag:s11] =	ssyncset.done $0x0  }
0x2a: {  	[sflag:s11] =	ssyncadd.s32 $0xFFFFFF80;
	s12 =	sadd.s32 $0x1, s12  }
0x2b: {  	s13 =	simm.s32 @!p0 $0x1C02;
	[bflag:$0x0] =	sbarrier.arrive $0xFFFF;
	p1 =	sne.s32 s12, s6  }
0x2c: {  	[hbm:s5], [sflag:s13] =	dma.local @!p0 [spmem:s7], $0x4F2  }
.Ltmp2:
0x2d: {  	_ = 	snop;
	(pc) =	sbr.rel @p1 .LBB2_1-.Ltmp2, $4  }
0x2e: {  	s13 =	simm.s32 @!p0 $0x2  }
0x2f: {  	_ =	swait.ge @!p0 [sflag:s13], $0x4F2  }
0x30: {  	[sflag:s13] =	ssyncset.done @!p0 $0x0  }
0x31: {  	[sflag:s13] =	ssyncadd.s32 @!p0 $0xFFFFFB0E  }
0x32: {  	_ =	sfence.sel $0x180000  }
0x33: {  	[bflag:$0x0] =	sbarrier.arrive $0xFFFF  }
0x34: {  	_ =	strace $0x90000047  }
0x35: {  	s0 =	sadd.s32 @!p0 $0x100000, s0;
	[bflag:$0x2] =	sbarrier.arrive $0xFFFF  }
0x36: {  	[sflag:s0] =	ssyncadd.tile.s32 @!p0 $0x1;
	_ =	shalt  }
.Lfunc_end2:
_tile_overlayer_lowered:
.L_overlay_start_2:
0x37: {  	(tag) =	ssettag $0x2  }
0x38: {  	s0 =	rddreg [dreg:$0x0];
	s2 =	stileid.u32  }
0x39: {  	s1 =	rddreg [dreg:$0x1];
	p0 =	sne.s32 s2, $0x0  }
0x3a: {  	s3 =	rddreg [dreg:$0x2];
	[bflag:$0x3] =	sbarrier.arrive $0xFFFF;
	s2 =	simm.s32 @!p0 $0x1C02  }
0x3b: {  	[timem:s3], [sflag:s2] =	dma.local @!p0 [hbm:s0], s1  }
0x3c: {  	s0 =	simm.s32 @!p0 $0x2  }
0x3d: {  	_ =	swait.ge @!p0 [sflag:s0], s1  }
0x3e: {  	s1 =	ssub.s32 @!p0 $0x0, s1;
	[sflag:s0] =	ssyncset.done @!p0 $0x0  }
0x3f: {  	[sflag:s0] =	ssyncadd.s32 @!p0 s1  }
0x40: {  	[bflag:$0x3] =	sbarrier.arrive $0xFFFF  }
0x41: {  	_ =	shalt  }

// kernel: kernel.9.cloned.1.call-start
scs
__scs_entry_jumppad:
0x0: {  	(pc) =	sbr.rel $0x88, $3  }
0x1: {  	(tag) =	ssettag $0x0;
	lr =	simm.s32 $0x1  }
0x2: {  	[smem:$0x3F9B] =	sst lr;
	_ =	strace $0xD0000000  }
0x3: {  	_ = 	snop  }
0x4: {  	_ = 	snop  }
0x5: {  	_ = 	snop  }
0x6: {  	_ = 	snop  }
0x7: {  	_ = 	snop  }
__scs_overlays_trampoline_lowered:
0x8: {  	[smem:$0x3FAA] =	sst s0  }
0x9: {  	[smem:$0x3FAB] =	sst s1  }
0xa: {  	[smem:$0x3FAC] =	sst s2  }
0xb: {  	[smem:$0x3FAD] =	sst s3  }
0xc: {  	[smem:$0x3FAE] =	sst s4  }
0xd: {  	[smem:$0x3FAF] =	sst s5  }
0xe: {  	[smem:$0x3FB0] =	sst s6  }
0xf: {  	[smem:$0x3FB1] =	sst s7  }
0x10: {  	[smem:$0x3FB2] =	sst s8  }
0x11: {  	[smem:$0x3FB3] =	sst s9;
	s0 =	simm.s32 @!p0 $0x0  }
0x12: {  	s1 =	sld [smem:$0x3F99];
	s0 =	simm.s32 @p0 $0x1  }
0x13: {  	[smem:$0x3FB4] =	sst s0;
	s0 =	simm.s32 @!p1 $0x0  }
0x14: {  	s2 =	sld [smem:$0x3F98];
	s0 =	simm.s32 @p1 $0x1  }
0x15: {  	[smem:$0x3FB5] =	sst s0;
	s0 =	simm.s32 @!p2 $0x0  }
0x16: {  	s3 =	sld [smem:$0x3FDB];
	s0 =	simm.s32 @p2 $0x1  }
0x17: {  	s4 =	simm.s32 $0x1BF5;
	[smem:$0x3FB7] =	sst s0  }
0x18: {  	s0 =	sld [smem:$0x3F9A];
	_ =	swait.ge [sflag:s4], $0x0  }
0x19: {  	s7 =	sld [smem:$0x3F9B]  }
0x1a: {  	s8 =	sadd.s32 $0xFFFFE003, lr  }
0x1b: {  	s9 =	sadd.s32 $0xFFFFFEF7, lr;
	s5 =	simm.s32 $0xFFFFFFFF;
	p2 =	slt.u32 s8, $0xFFFFF086  }
0x1c: {  	p1 =	slt.u32 s9, $0xF7A;
	s5 =	simm.s32 @!p2 $0x0  }
0x1d: {  	s5 =	simm.s32 @p1 $0x1;
	p0 =	seq.s32 s7, s2  }
0x1e: {  	s7 =	smul.u32 @!p0 $0xF7A, s2;
	p2 =	seq.s32 @!p0 s5, $0x0  }
0x1f: {  	s9 =	smul.u32 $0xF7A, s1;
	s8 =	simm.s32 @!p0 $0x1BF5;
	p2 =	por !p2, p0  }
0x20: {  	[sflag:s8] =	ssyncset.s32 @!p0 $0xFFFFF086;
	s6 =	sadd.s32 @!p0 s3, s7;
	s7 =	simm.s32 @!p0 $0x108  }
0x21: {  	s3 =	sadd.s32 s3, s9;
	s6 =	sadd.s32 @!p0 $0x88, s6;
	s7 =	simm.s32 @p2 $0x1082  }
0x22: {  	[simem:s7], [sflag:s8] =	dma.local @!p0 [hbm:s6], $0xF7A  }
0x23: {  	s9 =	sor.u32 $0xD0000000, s2;
	s6 =	simm.s32 $0x108;
	_ =	swait.ge @!p0 [sflag:s8], $0x0  }
0x24: {  	s3 =	sadd.s32 $0x88, s3;
	s6 =	simm.s32 @!p1 $0x1082;
	[sflag:s4] =	ssyncset.s32 $0xFFFFF086  }
0x25: {  	[simem:s6], [sflag:s4] =	dma.local [hbm:s3], $0xF7A  }
0x26: {  	[smem:$0x3F9B] =	sst s1;
	(tag) =	ssettag s2;
	_ =	strace s9  }
0x27: {  	s1 =	sld [smem:$0x3FAB]  }
0x28: {  	s2 =	sld [smem:$0x3FAC]  }
0x29: {  	s4 =	sld [smem:$0x3FAE]  }
0x2a: {  	p0 =	seq.s32 s5, $0x0;
	s5 =	sld [smem:$0x3FAF]  }
0x2b: {  	s6 =	sld [smem:$0x3FB0]  }
0x2c: {  	s7 =	sld [smem:$0x3FB1]  }
0x2d: {  	s3 =	simm.s32 $0x108;
	s8 =	sld [smem:$0x3FB2]  }
0x2e: {  	s3 =	simm.s32 @!p0 $0x1082;
	s9 =	sld [smem:$0x3FB3]  }
0x2f: {  	lr =	sadd.s32 s0, s3;
	s0 =	sld [smem:$0x3FAA]  }
0x30: {  	s3 =	sld [smem:$0x3FAD]  }
0x31: {  	[smem:$0x3FB6] =	sst s10  }
0x32: {  	s10 =	sld [smem:$0x3FB4];
	_ =	sdelay $0x3  }
0x33: {  	p0 =	seq.s32 s10, $0x1;
	s10 =	sld [smem:$0x3FB6];
	_ =	sdelay $0x3  }
0x34: {  	[smem:$0x3FB6] =	sst s10  }
0x35: {  	s10 =	sld [smem:$0x3FB5];
	_ =	sdelay $0x3  }
0x36: {  	p1 =	seq.s32 s10, $0x1;
	s10 =	sld [smem:$0x3FB6];
	_ =	sdelay $0x3  }
0x37: {  	[smem:$0x3FB6] =	sst s10  }
0x38: {  	s10 =	sld [smem:$0x3FB7]  }
0x39: {  	_ = 	snop;
	(pc) =	sbr.ind lr, $3  }
0x3a: {  	_ = 	snop  }
0x3b: {  	_ = 	snop  }
0x3c: {  	p2 =	seq.s32 s10, $0x1;
	s10 =	sld [smem:$0x3FB6]  }
0x3d: {  	_ =	shalt  }
0x3e: {  	_ =	shalt  }
0x3f: {  	_ =	shalt  }
0x40: {  	_ =	shalt  }
0x41: {  	_ =	shalt  }
0x42: {  	_ =	shalt  }
0x43: {  	_ =	shalt  }
0x44: {  	_ =	shalt  }
0x45: {  	_ =	shalt  }
0x46: {  	_ =	shalt  }
0x47: {  	_ =	shalt  }
0x48: {  	_ =	shalt  }
0x49: {  	_ =	shalt  }
0x4a: {  	_ =	shalt  }
0x4b: {  	_ =	shalt  }
0x4c: {  	_ =	shalt  }
0x4d: {  	_ =	shalt  }
0x4e: {  	_ =	shalt  }
0x4f: {  	_ =	shalt  }
0x50: {  	_ =	shalt  }
0x51: {  	_ =	shalt  }
0x52: {  	_ =	shalt  }
0x53: {  	_ =	shalt  }
0x54: {  	_ =	shalt  }
0x55: {  	_ =	shalt  }
0x56: {  	_ =	shalt  }
0x57: {  	_ =	shalt  }
0x58: {  	_ =	shalt  }
0x59: {  	_ =	shalt  }
0x5a: {  	_ =	shalt  }
0x5b: {  	_ =	shalt  }
0x5c: {  	_ =	shalt  }
0x5d: {  	_ =	shalt  }
0x5e: {  	_ =	shalt  }
0x5f: {  	_ =	shalt  }
0x60: {  	_ =	shalt  }
0x61: {  	_ =	shalt  }
0x62: {  	_ =	shalt  }
0x63: {  	_ =	shalt  }
0x64: {  	_ =	shalt  }
0x65: {  	_ =	shalt  }
0x66: {  	_ =	shalt  }
0x67: {  	_ =	shalt  }
0x68: {  	_ =	shalt  }
0x69: {  	_ =	shalt  }
0x6a: {  	_ =	shalt  }
0x6b: {  	_ =	shalt  }
0x6c: {  	_ =	shalt  }
0x6d: {  	_ =	shalt  }
0x6e: {  	_ =	shalt  }
0x6f: {  	_ =	shalt  }
0x70: {  	_ =	shalt  }
0x71: {  	_ =	shalt  }
0x72: {  	_ =	shalt  }
0x73: {  	_ =	shalt  }
0x74: {  	_ =	shalt  }
0x75: {  	_ =	shalt  }
0x76: {  	_ =	shalt  }
0x77: {  	_ =	shalt  }
0x78: {  	_ =	shalt  }
0x79: {  	_ =	shalt  }
0x7a: {  	_ =	shalt  }
0x7b: {  	_ =	shalt  }
0x7c: {  	_ =	shalt  }
0x7d: {  	_ =	shalt  }
0x7e: {  	_ =	shalt  }
0x7f: {  	_ =	shalt  }
0x80: {  	_ =	shalt  }
0x81: {  	_ =	shalt  }
0x82: {  	_ =	shalt  }
0x83: {  	_ =	shalt  }
0x84: {  	_ =	shalt  }
0x85: {  	_ =	shalt  }
0x86: {  	_ =	shalt  }
0x87: {  	_ =	shalt  }
.Lfunc_end0:
.L_simem_size_0:
called_computation.1_lowered:
.L_overlay_start_0:
0x88: {  	s2 =	sld [smem:$0x3FD9]  }
0x89: {  	s3 =	sld [smem:$0x3FFE];
	_ =	sdelay $0x1  }
0x8a: {  	s1 =	srdreg.scid  }
0x8b: {  	s0 =	sand.u32 $0x1, s1  }
0x8c: {  	s16 =	sshll.u32 s0, $0xA;
	s2 =	sadd.s32 s3, s2  }
0x8d: {  	s2 =	sadd.s32 s2, s16  }
0x8e: {  	[smem:$0x3FC2] =	sst s2  }
0x8f: {  	_ = 	snop  }
0x90: {  	(tm) =	ssettm $0x1  }
0x91: {  	s17 =	sld [smem:$0x3FFB];
	_ =	sdelay $0x3  }
0x92: {  	_ =	strace s17  }
0x93: {  	s2 =	sld [smem:$0x3FFC];
	_ =	sdelay $0x3  }
0x94: {  	_ =	strace s2  }
0x95: {  	s2 =	sld [smem:$0x3FFD];
	_ =	sdelay $0x3  }
0x96: {  	_ =	strace s2  }
0x97: {  	_ =	strace $0x8FFFFFFF  }
0x98: {  	s18 =	sld [smem:$0x3FDB];
	_ =	sdelay $0x1  }
0x99: {  	s19 =	simm.s32 $_scs_section_size  }
0x9a: {  	s4 =	simm.s32 $_size__tile_overlayer_lowered;
	s5 =	simm.s32 $_tile_overlayer_lowered  }
0x9b: {  	s22 =	simm.s32 $0x1BFF;
	s21 =	sshll.u32 s5, $0x1;
	s2 =	sadd.s32 s19, s18  }
0x9c: {  	s6 =	simm.s32 $0x0;
	s20 =	sshll.u32 s4, $0x1;
	s4 =	sadd.s32 s21, s2  }
0x9d: {  	[timem:s6], [sflag:s22] =	dma.local [hbm:s4], s20  }
0x9e: {  	_ =	swait.ge [sflag:s22], s20  }
0x9f: {  	s3 =	ssub.s32 $0x0, s20;
	[sflag:s22] =	ssyncset.done $0x0  }
0xa0: {  	[sflag:s22] =	ssyncadd.s32 s3;
	_ =	sdelay $0x1  }
0xa1: {  	s23 =	simm.s32 $0x1B8B  }
0xa2: {  	_ =	swait.ge [sflag:s23], $0x1  }
0xa3: {  	[sflag:s23] =	ssyncset.done $0x0  }
0xa4: {  	s25 =	simm.s32 $0x1B8E;
	s24 =	sld [smem:$0x3FFE];
	[sflag:s23] =	ssyncadd.s32 $0xFFFFFFFF  }
0xa5: {  	s26 =	simm.s32 $execute0_lowered;
	[smem:$0x3FD2] =	sst s25  }
0xa6: {  	s4 =	sshll.u32 s26, $0x1;
	_ =	strace $0x80000049;
	[dreg:$0x1] =	wrdreg $0xFFFFFFFF  }
0xa7: {  	s28 =	simm.s32 $_size_execute0_lowered;
	s2 =	sadd.s32 s2, s4;
	[dreg:$0x0] =	wrdreg $0x0  }
0xa8: {  	s4 =	sshll.u32 s28, $0x1;
	[dreg:$0x2] =	wrdreg s2  }
0xa9: {  	[dreg:$0x3] =	wrdreg s4  }
0xaa: {  	[dreg:$0x4] =	wrdreg $0xC0  }
0xab: {  	_ =	task [dreg:s6], $0x5FFFF  }
0xac: {  	[dreg:$0x1] =	wrdreg $0xFFFFFFFF  }
0xad: {  	[dreg:$0x0] =	wrdreg $0x60  }
0xae: {  	[dreg:$0x2] =	wrdreg s24  }
0xaf: {  	[dreg:$0x3] =	wrdreg $0x16F000  }
0xb0: {  	[dreg:$0x4] =	wrdreg $0x9  }
0xb1: {  	_ =	task.clear_ibuf [dreg:s6], $0x5FFFF;
	_ =	strace $0x90000049  }
0xb2: {  	s29 =	simm.s32 $0x9;
	_ =	strace $0x8000004B  }
0xb3: {  	_ =	swait.ge [sflag:s29], $0x1  }
0xb4: {  	[sflag:s29] =	ssyncadd.s32 $0xFFFFFFFF  }
0xb5: {  	_ =	strace $0x9000004B  }
0xb6: {  	_ =	sfence  }
0xb7: {  	s30 =	sld [smem:$0x0];
	_ =	sdelay $0x2  }
0xb8: {  	s31 =	sshll.u32 s1, $0xD;
	s1 =	sshrl.u32 s1, $0x2  }
0xb9: {  	s3 =	sand.u32 $0x4000, s31;
	s1 =	sadd.s32 s1, s30  }
0xba: {  	s0 =	sor.u32 s3, s0;
	s1 =	sshll.u32 s1, $0x11  }
0xbb: {  	s0 =	sor.u32 s1, s0  }
0xbc: {  	s0 =	sadd.s32 $0x8F2B, s0  }
0xbd: {  	[sflag:s0] =	ssyncadd.remote.s32 $0x1  }
0xbe: {  	_ =	sfence.sel $0xFFFF  }
0xbf: {  	[dreg:$0x0] =	wrdreg $0xFFFFFFFF;
	(pc) =	sbr.abs _section_cstart, $3  }
0xc0: {  	[dreg:$0x1] =	wrdreg $0xFFFFFFFF  }
0xc1: {  	_ =	task.clear_ibuf [dreg:s6], $0x2FFFF;
	_ =	strace $0x9FFFFFFF  }
0xc2: {  	(tm) =	ssettm $0x7FFFFFFF  }
0xc3: {  	_ =	shalt  }
tec
execute0_lowered:
.L_overlay_start_1:
0x0: {  	(tag) =	ssettag $0x1  }
0x1: {  	s0 =	srdreg.scid;
	s5 =	rddreg [dreg:$0x0]  }
0x2: {  	s14 =	stileid.u32;
	s1 =	rddreg [dreg:$0x1]  }
0x3: {  	s12 =	simm.s32 $0x3;
	s13 =	simm.s32 $0x80;
	s15 =	simm.s32 $0xC700  }
0x4: {  	s16 =	simm.s32 $0x580;
	s17 =	simm.s32 $0xD300;
	s18 =	simm.s32 $0x1  }
0x5: {  	s19 =	simm.s32 $0x2;
	s20 =	simm.s32 $0x0;
	s0 =	sand.u32 $0x1, s0  }
0x6: {  	s2 =	sshll.u32 s14, $0x1;
	s4 =	sadd.s32 $0x1CA00, s5;
	p0 =	seq.s32 s14, $0x0  }
0x7: {  	p2 =	sne.s32 s14, $0x0;
	s3 =	sor.u32 s0, s2;
	s2 =	simm.s32 $0x0  }
0x8: {  	s6 =	smul.u32 $0x76B0, s0;
	s30 =	ssub.s32 $0x2, s0;
	p1 =	seq.s32 s0, $0x1  }
0x9: {  	s0 =	sor.u32 s0, s14;
	s3 =	smul.u32 $0x4F0, s3;
	[smem:$0x7FF] =	sst s2  }
0xa: {  	s31 =	sshrl.u32 s30, $0x1;
	p0 =	por !p0, !p1;
	p1 =	sne.s32 s0, $0x0  }
0xb: {  	_ =	strace $0x8000004A;
	s8 =	sadd.s32 s6, s5;
	s9 =	ssub.s32 s30, s31  }
0xc: {  	p0 =	por !p0, !p0;
	s0 =	sshll.u32 @!p1 s14, $0x6;
	s10 =	sshrl.u32 @!p1 s1, $0x3  }
0xd: {  	s14 =	simm.s32 $0x500;
	s7 =	sadd.s32 s3, s5;
	s3 =	sadd.s32 $0x15200, s5  }
0xe: {  	s11 =	sshrl.u32 @p0 s1, $0x3;
	s5 =	sadd.s32 $0x1600, s7;
	s6 =	sadd.s32 $0xB400, s7  }
0xf: {  	s7 =	sadd.s32 $0x24200, s8;
	s8 =	smax.u32 s9, $0x1;
	s9 =	sor.u32 @!p1 $0x1C03, s0  }
.LBB2_1:
0x10: {  	[spmem:s10], [sflag:s9] =	dma.local @!p1 [hbm:s3], $0x76B0  }
0x11: {  	s21 =	simm.s32 @!p1 $0x3  }
0x12: {  	_ =	swait.ge @!p1 [sflag:s21], $0x76B0  }
0x13: {  	[sflag:s21] =	ssyncset.done @!p1 $0x0  }
0x14: {  	[sflag:s21] =	ssyncadd.s32 @!p1 $0xFFFF8950;
	s21 =	simm.s32 @p0 $0x1C03  }
0x15: {  	[spmem:s11], [sflag:s21] =	dma.local @p0 [hbm:s4], $0x76B0  }
0x16: {  	s21 =	simm.s32 @p0 $0x3  }
0x17: {  	_ =	swait.ge @p0 [sflag:s21], $0x76B0  }
0x18: {  	[sflag:s21] =	ssyncset.done @p0 $0x0  }
0x19: {  	[sflag:s21] =	ssyncadd.s32 @p0 $0xFFFF8950  }
0x1a: {  	[tilespmem:s2], [sflag:$0x3] =	stream.linear.gather [hbm4b:s5+s2], $0x2780, $0x38;
	[tilespmem:$0x1AA58] =	vst v63  }
0x1b: {  	_ =	swait.ge [sflag:s12], $0x2780  }
0x1c: {  	[sflag:s12] =	ssyncset.done $0x0  }
0x1d: {  	s21 =	simm.s32 $0x2780;
	[sflag:s12] =	ssyncadd.s32 $0xFFFFD880  }
0x1e: {  	[tilespmem:s21], [sflag:$0x3] =	stream.linear.gather [hbm4b:s6+s2], $0x2780, $0x38;
	[tilespmem:$0x1AA58] =	vst v63  }
0x1f: {  	_ =	swait.ge [sflag:s12], $0x2780  }
0x20: {  	[sflag:s12] =	ssyncset.done $0x0  }
0x21: {  	[sflag:s12] =	ssyncadd.s32 $0xFFFFD880  }
0x22: {  	s0 =	simm.s32 $0x4F00;
	[bflag:$0x0] =	sbarrier.arrive $0xFFFF  }
0x23: {  	[tilespmem:s0], [sflag:$0x1] =	stream.indirect.gather [hbm4b:s3+s13], $0x18, s2, s13, $0xb8;
	[tilespmem:$0x1AA58] =	vst v63  }
0x24: {  	s23 =	simm.s32 $0x5B00  }
0x25: {  	[tilespmem:s23], [sflag:$0x1] =	stream.indirect.gather [hbm4b:s3+s13], $0x18, s13, s13, $0xb8;
	[tilespmem:$0x1AA58] =	vst v63  }
0x26: {  	s24 =	simm.s32 $0x100;
	s22 =	simm.s32 $0x6700  }
0x27: {  	[tilespmem:s22], [sflag:$0x1] =	stream.indirect.gather [hbm4b:s3+s13], $0x18, s24, s13, $0xb8;
	[tilespmem:$0x1AA58] =	vst v63  }
0x28: {  	s25 =	simm.s32 $0x180;
	s26 =	simm.s32 $0x7300  }
0x29: {  	[tilespmem:s26], [sflag:$0x1] =	stream.indirect.gather [hbm4b:s3+s13], $0x18, s25, s13, $0xb8;
	[tilespmem:$0x1AA58] =	vst v63  }
0x2a: {  	s30 =	simm.s32 $0x200;
	s31 =	simm.s32 $0x7F00  }
0x2b: {  	[tilespmem:s31], [sflag:$0x1] =	stream.indirect.gather [hbm4b:s3+s13], $0x18, s30, s13, $0xb8;
	[tilespmem:$0x1AA58] =	vst v63  }
0x2c: {  	s23 =	simm.s32 $0x280;
	s24 =	simm.s32 $0x8B00  }
0x2d: {  	[tilespmem:s24], [sflag:$0x1] =	stream.indirect.gather [hbm4b:s3+s13], $0x18, s23, s13, $0xb8;
	[tilespmem:$0x1AA58] =	vst v63  }
0x2e: {  	s25 =	simm.s32 $0x300;
	s26 =	simm.s32 $0x9700  }
0x2f: {  	[tilespmem:s26], [sflag:$0x1] =	stream.indirect.gather [hbm4b:s3+s13], $0x18, s25, s13, $0xb8;
	[tilespmem:$0x1AA58] =	vst v63  }
0x30: {  	s30 =	simm.s32 $0x380;
	s31 =	simm.s32 $0xA300  }
0x31: {  	[tilespmem:s31], [sflag:$0x1] =	stream.indirect.gather [hbm4b:s3+s13], $0x18, s30, s13, $0xb8;
	[tilespmem:$0x1AA58] =	vst v63  }
0x32: {  	s22 =	simm.s32 $0x400;
	s23 =	simm.s32 $0xAF00;
	s26 =	simm.s32 $0x0  }
0x33: {  	[tilespmem:s23], [sflag:$0x1] =	stream.indirect.gather [hbm4b:s3+s13], $0x18, s22, s13, $0xb8;
	[tilespmem:$0x1AA58] =	vst v63  }
0x34: {  	p3 =	por $0x0, $0x0;
	s22 =	smul.u32 $0xAB, s26;
	s23 =	simm.s32 $0xC  }
0x35: {  	s24 =	simm.s32 $0x480;
	s25 =	simm.s32 $0xBB00;
	s23 =	smul.u32 @!p3 $0xAB, s23  }
0x36: {  	[tilespmem:s25], [sflag:$0x1] =	stream.indirect.gather [hbm4b:s3+s13], $0x18, s24, s13, $0xb8;
	[tilespmem:$0x1AA58] =	vst v63  }
0x37: {  	s22 =	sshrl.u32 s22, $0xC  }
0x38: {  	p4 =	por $0x1, $0x1;
	s22 =	sand.u32 $0xF, s22;
	s23 =	sshrl.u32 @!p3 s23, $0xC  }
0x39: {  	[tilespmem:s15], [sflag:$0x1] =	stream.indirect.gather [hbm4b:s3+s13], $0x18, s14, s13, $0xb8;
	[tilespmem:$0x1AA58] =	vst v63  }
0x3a: {  	s22 =	smul.u32 $0x18, s22;
	s23 =	sand.u32 @!p3 $0xF, s23;
	p3 =	por p3, p3  }
0x3b: {  	s26 =	simm.s32 $0x1;
	s25 =	simm.s32 @!p4 $0x2;
	s23 =	smul.u32 @!p3 $0x18, s23  }
0x3c: {  	[tilespmem:s17], [sflag:$0x1] =	stream.indirect.gather [hbm4b:s3+s13], $0x18, s16, s13, $0xb8;
	[tilespmem:$0x1AA58] =	vst v63  }
0x3d: {  	s24 =	simm.s32 $0x600;
	s22 =	ssub.s32 $0x0, s22;
	_ =	swait.ge @!p4 [sflag:s25], $0xC00  }
0x3e: {  	s22 =	sand.u32 $0xFF, s22;
	s23 =	ssub.s32 @!p3 $0xC, s23;
	[sflag:s25] =	ssyncset.done @!p4 $0x0  }
0x3f: {  	s30 =	smul.u32 $0x3000, s22;
	s23 =	sand.u32 @!p3 $0xFF, s23;
	[sflag:s25] =	ssyncadd.s32 @!p4 $0xFFFFF400  }
0x40: {  	s22 =	simm.s32 $0xD;
	s28 =	smul.u32 @!p3 $0x3000, s23;
	_ =	swait.ge [sflag:s18], $0xC00  }
0x41: {  	s23 =	simm.s32 $0x2800;
	s25 =	sshrl.u32 s30, $0x2;
	[sflag:s18] =	ssyncset.done $0x0  }
0x42: {  	s31 =	sadd.s32 $0x4F00, s25;
	s25 =	simm.s32 $0xE;
	[sflag:s18] =	ssyncadd.s32 $0xFFFFF400  }
0x43: {  	[spmem:s1] =	stream.indirect.scatter.add.f32 [tilespmem:s31], [sflag:$0x2], $0x18, s21, s13, $0xb8;
	[tilespmem:$0x1AA58] =	vst v63  }
0x44: {  	s29 =	sshrl.u32 @!p3 s28, $0x2;
	s28 =	simm.s32 @!p3 $0x80;
	s21 =	simm.s32 $0x680  }
.LBB2_2:
0x45: {  	s30 =	smul.u32 $0xAB, s26;
	p5 =	sgt.u32 s26, $0x42;
	s29 =	sadd.s32 @!p3 $0x4F00, s29  }
0x46: {  	s31 =	smov.u32 s22;
	s22 =	smov.u32 s25;
	s0 =	smov.u32 s23  }
0x47: {  	[tilespmem:s29], [sflag:$0x1] =	stream.indirect.gather @!p3 [hbm4b:s3+s28], $0x18, s24, s28, $0xb8;
	[tilespmem:$0x1AA58] =	vst v63  }
0x48: {  	s25 =	sadd.s32 $0x1, s25;
	s28 =	smul.u32 @!p5 $0xAB, s31;
	s24 =	sshrl.u32 s30, $0xC  }
0x49: {  	p4 =	sne.s32 s25, $0x5B;
	s29 =	sand.u32 $0xF, s24;
	s24 =	smov.u32 s21  }
0x4a: {  	p6 =	slt.u32 s26, $0xC;
	s28 =	sshrl.u32 @!p5 s28, $0xC;
	s29 =	smul.u32 $0x18, s29  }
0x4b: {  	p3 =	por p5, p5;
	s30 =	simm.s32 @!p6 $0x2;
	s28 =	sand.u32 @!p5 $0xF, s28  }
0x4c: {  	s28 =	smul.u32 @!p3 $0x18, s28;
	_ =	swait.ge @!p6 [sflag:s30], $0xC00;
	s26 =	ssub.s32 s26, s29  }
0x4d: {  	s23 =	sadd.s32 $0x80, s23;
	[sflag:s30] =	ssyncset.done @!p6 $0x0;
	s26 =	sand.u32 $0xFF, s26  }
0x4e: {  	s28 =	ssub.s32 @!p3 s31, s28;
	[sflag:s30] =	ssyncadd.s32 @!p6 $0xFFFFF400;
	s26 =	smul.u32 $0x3000, s26  }
.Ltmp0:
0x4f: {  	s28 =	sand.u32 @!p3 $0xFF, s28;
	_ =	swait.ge [sflag:s18], $0xC00;
	(pc) =	sbr.rel @p4 .LBB2_2-.Ltmp0, $4  }
0x50: {  	s28 =	smul.u32 @!p3 $0x3000, s28;
	s26 =	sshrl.u32 s26, $0x2;
	[sflag:s18] =	ssyncset.done $0x0  }
0x51: {  	s21 =	sadd.s32 $0x80, s21;
	s26 =	sadd.s32 $0x4F00, s26;
	[sflag:s18] =	ssyncadd.s32 $0xFFFFF400  }
0x52: {  	[spmem:s1] =	stream.indirect.scatter.add.f32 [tilespmem:s26], [sflag:$0x2], $0x18, s0, s13, $0xb8;
	[tilespmem:$0x1AA58] =	vst v63  }
0x53: {  	s29 =	sshrl.u32 @!p3 s28, $0x2;
	s28 =	simm.s32 @!p3 $0x80;
	s26 =	sadd.s32 $0xFFFFFFF4, s22  }
0x54: {  	s0 =	smul.u32 $0xAB, s26;
	s25 =	sadd.s32 @!p3 $0x4F00, s29  }
0x55: {  	[tilespmem:s25], [sflag:$0x1] =	stream.indirect.gather @!p3 [hbm4b:s3+s28], $0x18, s24, s28, $0xb8;
	[tilespmem:$0x1AA58] =	vst v63  }
0x56: {  	p4 =	sgt.u32 s26, $0x42;
	s0 =	sshrl.u32 s0, $0xC  }
0x57: {  	s24 =	smul.u32 @!p4 $0xAB, s22;
	s0 =	sand.u32 $0xF, s0  }
0x58: {  	p5 =	slt.u32 s26, $0xC;
	s0 =	smul.u32 $0x18, s0  }
0x59: {  	s25 =	simm.s32 @!p5 $0x2;
	p3 =	por p4, p4;
	s24 =	sshrl.u32 @!p4 s24, $0xC  }
0x5a: {  	_ =	swait.ge @!p5 [sflag:s25], $0xC00;
	s24 =	sand.u32 @!p4 $0xF, s24;
	s0 =	ssub.s32 s26, s0  }
0x5b: {  	[sflag:s25] =	ssyncset.done @!p5 $0x0;
	s24 =	smul.u32 @!p3 $0x18, s24;
	s0 =	sand.u32 $0xFF, s0  }
0x5c: {  	[sflag:s25] =	ssyncadd.s32 @!p5 $0xFFFFF400;
	s0 =	smul.u32 $0x3000, s0  }
0x5d: {  	_ =	swait.ge [sflag:s18], $0xC00;
	s22 =	ssub.s32 @!p3 s22, s24  }
0x5e: {  	[sflag:s18] =	ssyncset.done $0x0;
	s22 =	sand.u32 @!p3 $0xFF, s22;
	s0 =	sshrl.u32 s0, $0x2  }
0x5f: {  	[sflag:s18] =	ssyncadd.s32 $0xFFFFF400;
	s22 =	smul.u32 @!p3 $0x3000, s22;
	s0 =	sadd.s32 $0x4F00, s0  }
0x60: {  	[spmem:s1] =	stream.indirect.scatter.add.f32 [tilespmem:s0], [sflag:$0x2], $0x18, s23, s13, $0xb8;
	[tilespmem:$0x1AA58] =	vst v63  }
0x61: {  	s0 =	sshrl.u32 @!p3 s22, $0x2  }
0x62: {  	s22 =	simm.s32 @!p3 $0x80;
	s0 =	sadd.s32 @!p3 $0x4F00, s0  }
0x63: {  	[tilespmem:s0], [sflag:$0x1] =	stream.indirect.gather @!p3 [hbm4b:s3+s22], $0x18, s21, s22, $0xb8;
	[tilespmem:$0x1AA58] =	vst v63  }
0x64: {  	_ =	swait.ge [sflag:s19], $0xC00  }
0x65: {  	[sflag:s19] =	ssyncset.done $0x0  }
0x66: {  	[sflag:s19] =	ssyncadd.s32 $0xFFFFF400  }
0x67: {  	_ =	swait.ge [sflag:s19], $0xC00  }
0x68: {  	[sflag:s19] =	ssyncset.done $0x0  }
0x69: {  	[sflag:s19] =	ssyncadd.s32 $0xFFFFF400  }
0x6a: {  	_ =	swait.ge [sflag:s19], $0xC00  }
0x6b: {  	[sflag:s19] =	ssyncset.done $0x0  }
0x6c: {  	[sflag:s19] =	ssyncadd.s32 $0xFFFFF400  }
0x6d: {  	_ =	swait.ge [sflag:s19], $0xC00  }
0x6e: {  	[sflag:s19] =	ssyncset.done $0x0  }
0x6f: {  	[sflag:s19] =	ssyncadd.s32 $0xFFFFF400  }
0x70: {  	_ =	swait.ge [sflag:s19], $0xC00  }
0x71: {  	[sflag:s19] =	ssyncset.done $0x0  }
0x72: {  	[sflag:s19] =	ssyncadd.s32 $0xFFFFF400  }
0x73: {  	_ =	swait.ge [sflag:s19], $0xC00  }
0x74: {  	[sflag:s19] =	ssyncset.done $0x0  }
0x75: {  	[sflag:s19] =	ssyncadd.s32 $0xFFFFF400  }
0x76: {  	_ =	swait.ge [sflag:s19], $0xC00  }
0x77: {  	[sflag:s19] =	ssyncset.done $0x0  }
0x78: {  	[sflag:s19] =	ssyncadd.s32 $0xFFFFF400  }
0x79: {  	_ =	swait.ge [sflag:s19], $0xC00  }
0x7a: {  	[sflag:s19] =	ssyncset.done $0x0  }
0x7b: {  	[sflag:s19] =	ssyncadd.s32 $0xFFFFF400  }
0x7c: {  	_ =	swait.ge [sflag:s19], $0xC00  }
0x7d: {  	[sflag:s19] =	ssyncset.done $0x0  }
0x7e: {  	[sflag:s19] =	ssyncadd.s32 $0xFFFFF400  }
0x7f: {  	_ =	swait.ge [sflag:s19], $0xC00  }
0x80: {  	[sflag:s19] =	ssyncset.done $0x0  }
0x81: {  	[sflag:s19] =	ssyncadd.s32 $0xFFFFF400  }
0x82: {  	_ =	swait.ge [sflag:s19], $0xC00  }
0x83: {  	[sflag:s19] =	ssyncset.done $0x0  }
0x84: {  	[sflag:s19] =	ssyncadd.s32 $0xFFFFF400  }
0x85: {  	_ =	swait.ge [sflag:s19], $0xC00  }
0x86: {  	[sflag:s19] =	ssyncset.done $0x0  }
0x87: {  	s20 =	sadd.s32 $0x1, s20;
	s0 =	sshrl.u32 @!p2 s1, $0x3;
	[sflag:s19] =	ssyncadd.s32 $0xFFFFF400  }
0x88: {  	s21 =	simm.s32 @!p2 $0x1C03;
	p3 =	sne.s32 s20, s8;
	[bflag:$0x0] =	sbarrier.arrive $0xFFFF  }
0x89: {  	[hbm:s7], [sflag:s21] =	dma.local @!p2 [spmem:s0], $0x76B0  }
.Ltmp1:
0x8a: {  	_ = 	snop;
	(pc) =	sbr.rel @p3 .LBB2_1-.Ltmp1, $4  }
0x8b: {  	s0 =	simm.s32 @!p2 $0x3  }
0x8c: {  	_ =	swait.ge @!p2 [sflag:s0], $0x76B0  }
0x8d: {  	[sflag:s0] =	ssyncset.done @!p2 $0x0  }
0x8e: {  	[sflag:s0] =	ssyncadd.s32 @!p2 $0xFFFF8950  }
0x8f: {  	_ =	sfence.sel $0x180000  }
0x90: {  	[bflag:$0x0] =	sbarrier.arrive $0xFFFF  }
0x91: {  	_ =	strace $0x9000004A  }
0x92: {  	[bflag:$0x2] =	sbarrier.arrive $0xFFFF  }
0x93: {  	s0 =	rddreg [dreg:$0x2]  }
0x94: {  	s0 =	sadd.s32 @!p2 $0x100000, s0  }
0x95: {  	[sflag:s0] =	ssyncadd.tile.s32 @!p2 $0x1;
	_ =	shalt  }
.Lfunc_end2:
_tile_overlayer_lowered:
.L_overlay_start_2:
0x96: {  	(tag) =	ssettag $0x2  }
0x97: {  	s0 =	rddreg [dreg:$0x0];
	s2 =	stileid.u32  }
0x98: {  	s1 =	rddreg [dreg:$0x1];
	p0 =	sne.s32 s2, $0x0  }
0x99: {  	s3 =	rddreg [dreg:$0x2];
	[bflag:$0x3] =	sbarrier.arrive $0xFFFF;
	s2 =	simm.s32 @!p0 $0x1C03  }
0x9a: {  	[timem:s3], [sflag:s2] =	dma.local @!p0 [hbm:s0], s1  }
0x9b: {  	s0 =	simm.s32 @!p0 $0x3  }
0x9c: {  	_ =	swait.ge @!p0 [sflag:s0], s1  }
0x9d: {  	s1 =	ssub.s32 @!p0 $0x0, s1;
	[sflag:s0] =	ssyncset.done @!p0 $0x0  }
0x9e: {  	[sflag:s0] =	ssyncadd.s32 @!p0 s1  }
0x9f: {  	[bflag:$0x3] =	sbarrier.arrive $0xFFFF  }
0xa0: {  	_ =	shalt  }

</sc_bundles>
